<compile_context>
chip_gen: v7x
topology: tpu7x:2x2x1
jax: 0.10.2.dev20260603
libtpu: 0.0.44.dev20260713+nightly
codegen_flags: <defaults>
</compile_context>

<pallas_src>
import functools

import jax
import jax.numpy as jnp
from jax import lax
from jax.experimental import pallas as pl
from jax.experimental.pallas import tpu as pltpu
from jax.experimental.pallas import tpu_sc as plsc

_NBUF = 6
_CHUNK_ROWS = 16
_READ_AHEAD = 3


@functools.lru_cache(maxsize=None)
def _make_copy(n_seq, d_emb):
    info = plsc.get_sparse_core_info()
    nc, ns = info.num_cores, info.num_subcores
    nw = nc * ns
    rows_per_w = n_seq // nw
    n_chunks = rows_per_w // _CHUNK_ROWS

    mesh = plsc.VectorSubcoreMesh(core_axis_name="c", subcore_axis_name="s")

    @functools.partial(
        pl.kernel,
        mesh=mesh,
        out_type=jax.ShapeDtypeStruct((n_seq, d_emb), jnp.float32),
        scratch_types=[
            pltpu.VMEM((_NBUF, _CHUNK_ROWS, d_emb), jnp.float32),
            pltpu.SemaphoreType.DMA((_NBUF,)),
            pltpu.SemaphoreType.DMA((_NBUF,)),
        ],
    )
    def copy_kernel(table_hbm, out_hbm, bufs, rsems, wsems):
        wid = lax.axis_index("s") * nc + lax.axis_index("c")
        base = wid * rows_per_w

        def start_read(i):
            return pltpu.async_copy(
                table_hbm.at[pl.ds(base + i * _CHUNK_ROWS, _CHUNK_ROWS)],
                bufs.at[i % _NBUF],
                rsems.at[i % _NBUF],
            )

        def start_write(i):
            return pltpu.async_copy(
                bufs.at[i % _NBUF],
                out_hbm.at[pl.ds(base + i * _CHUNK_ROWS, _CHUNK_ROWS)],
                wsems.at[i % _NBUF],
            )

        reads = [None] * n_chunks
        writes = [None] * n_chunks
        for i in range(min(_READ_AHEAD, n_chunks)):
            reads[i] = start_read(i)
        for i in range(n_chunks):
            nxt = i + _READ_AHEAD
            if nxt < n_chunks:
                if nxt >= _NBUF:
                    writes[nxt - _NBUF].wait()
                reads[nxt] = start_read(nxt)
            reads[i].wait()
            writes[i] = start_write(i)
        for i in range(max(0, n_chunks - _NBUF), n_chunks):
            writes[i].wait()

    return copy_kernel


def kernel(x, table):
    n_seq = x.shape[-1]
    return _make_copy(n_seq, table.shape[1])(table)

# --- scband reference (transcript-rebuilt; emitter-appended) ---
"""Pipeline reference for scband-positional-embedding-64673617543619 (READ-ONLY COPY).

The authoritative reference and input builder live on the scoring server;
editing this copy changes nothing except your own understanding.
"""

import jax, jax.numpy as jnp
import numpy as np

D_EMB = 1024
N_SEQ = 8192


def _build_table(d_emb, n_seq):
    i_emb = jnp.arange(d_emb, dtype=jnp.float32)
    i_seq = jnp.arange(n_seq, dtype=jnp.float32)[:, None]
    ang = i_seq * jnp.power(10000.0, -2.0 * i_emb / jnp.float32(d_emb))
    emb = ang.at[:, 0::2].set(jnp.sin(ang[:, 0::2]))
    emb = emb.at[:, 1::2].set(jnp.cos(emb[:, 1::2]))
    return emb


def setup_inputs(seed: int = 0) -> dict:
    key = jax.random.key(seed)
    x = jax.random.randint(key, (4, 8192), 0, 32000, dtype=jnp.int64 if jax.config.read('jax_enable_x64') else jnp.int32)
    table = _build_table(D_EMB, N_SEQ)
    return {"x": x, "table": table}


def reference(x, table):
    # forward: ignore x values, only use its last-dim size; gather first n_seq rows
    n_seq = x.shape[-1]
    i_seq = jnp.arange(n_seq)
    out = jnp.take(table, i_seq, axis=0)
    return out

if __name__ == "__main__":
    import jax
    _d = setup_inputs()
    print(jax.jit(kernel)(*tuple(_d.values())))

</pallas_src>

<mosaic_0001>
#map = affine_map<(d0, d1) -> (0, 0)>
module attributes {stable_mosaic.version = 14 : i64} {
  func.func @copy_kernel(%arg0: i32, %arg1: i32, %arg2: memref<8192x1024xf32, #tpu.memory_space<hbm>>, %arg3: memref<8192x1024xf32, #tpu.memory_space<hbm>>, %arg4: memref<6x16x1024xf32, #tpu.memory_space<vmem>>, %arg5: memref<6x!tpu.dma_semaphore, #tpu.memory_space<semaphore_mem>>, %arg6: memref<6x!tpu.dma_semaphore, #tpu.memory_space<semaphore_mem>>) attributes {dimension_semantics = [#tpu.dimension_semantics<core_parallel>, #tpu.dimension_semantics<subcore_parallel>], iteration_bounds = array<i64: 2, 16>, scalar_prefetch = 0 : i64, scratch_operands = 3 : i64, tpu.core_type = #tpu.core_type<sc_vector_subcore>, window_params = [{transform_indices = #map}, {transform_indices = #map}]} {
    %mul3A = arith.constant 2 : i32
    %mul3A_0 = arith.muli %arg1, %mul3A : i32
    %add3A = arith.addi %mul3A_0, %arg0 : i32
    %mul3A_1 = arith.constant 256 : i32
    %mul3A_2 = arith.muli %add3A, %mul3A_1 : i32
    %add3A_3 = arith.constant 0 : i32
    %add3A_4 = arith.addi %mul3A_2, %add3A_3 : i32
    %dma_start3A = arith.constant 0 : i32
    %dma_start3A_5 = arith.constant 0 : i32
    %dma_start3A_6 = arith.constant 0 : i32
    %dma_start3A_7 = arith.constant 0 : i32
    %dma_start3A_8 = tpu.memref_slice %arg4[%dma_start3A, %dma_start3A_6, %dma_start3A_7] : memref<6x16x1024xf32, #tpu.memory_space<vmem>> -> memref<1x16x1024xf32, #tpu.memory_space<vmem>>
    %dma_start3A_9 = tpu.memref_squeeze %dma_start3A_8 : memref<1x16x1024xf32, #tpu.memory_space<vmem>> -> memref<16x1024xf32, #tpu.memory_space<vmem>>
    %dma_start3A_10 = arith.constant 0 : i32
    %dma_start3A_11 = tpu.memref_slice %arg2[%add3A_4, %dma_start3A_10] : memref<8192x1024xf32, #tpu.memory_space<hbm>> -> memref<16x1024xf32, #tpu.memory_space<hbm>>
    %dma_start3A_12 = tpu.memref_slice %arg5[%dma_start3A_5] : memref<6x!tpu.dma_semaphore, #tpu.memory_space<semaphore_mem>> -> memref<1x!tpu.dma_semaphore, #tpu.memory_space<semaphore_mem>>
    %dma_start3A_13 = tpu.memref_squeeze %dma_start3A_12 : memref<1x!tpu.dma_semaphore, #tpu.memory_space<semaphore_mem>> -> memref<!tpu.dma_semaphore, #tpu.memory_space<semaphore_mem>>
    %dma_start3A_14 = arith.constant 0 : i32
    %dma_start3A_15 = arith.constant 0 : i32
    %dma_start3A_16 = tpu.memref_slice %arg4[%dma_start3A, %dma_start3A_14, %dma_start3A_15] : memref<6x16x1024xf32, #tpu.memory_space<vmem>> -> memref<1x16x1024xf32, #tpu.memory_space<vmem>>
    %dma_start3A_17 = tpu.memref_squeeze %dma_start3A_16 : memref<1x16x1024xf32, #tpu.memory_space<vmem>> -> memref<16x1024xf32, #tpu.memory_space<vmem>>
    %dma_start3A_18 = arith.constant 0 : i32
    %dma_start3A_19 = tpu.memref_slice %arg2[%add3A_4, %dma_start3A_18] : memref<8192x1024xf32, #tpu.memory_space<hbm>> -> memref<16x1024xf32, #tpu.memory_space<hbm>>
    tpu.enqueue_dma source(%dma_start3A_19 : memref<16x1024xf32, #tpu.memory_space<hbm>>) target(%dma_start3A_17 : memref<16x1024xf32, #tpu.memory_space<vmem>>) target_semaphore(%dma_start3A_13 : memref<!tpu.dma_semaphore, #tpu.memory_space<semaphore_mem>>)
    %add3A_20 = arith.constant 16 : i32
    %add3A_21 = arith.addi %mul3A_2, %add3A_20 : i32
    %dma_start3A_22 = arith.constant 1 : i32
    %dma_start3A_23 = arith.constant 1 : i32
    %dma_start3A_24 = arith.constant 0 : i32
    %dma_start3A_25 = arith.constant 0 : i32
    %dma_start3A_26 = tpu.memref_slice %arg4[%dma_start3A_22, %dma_start3A_24, %dma_start3A_25] : memref<6x16x1024xf32, #tpu.memory_space<vmem>> -> memref<1x16x1024xf32, #tpu.memory_space<vmem>>
    %dma_start3A_27 = tpu.memref_squeeze %dma_start3A_26 : memref<1x16x1024xf32, #tpu.memory_space<vmem>> -> memref<16x1024xf32, #tpu.memory_space<vmem>>
    %dma_start3A_28 = arith.constant 0 : i32
    %dma_start3A_29 = tpu.memref_slice %arg2[%add3A_21, %dma_start3A_28] : memref<8192x1024xf32, #tpu.memory_space<hbm>> -> memref<16x1024xf32, #tpu.memory_space<hbm>>
    %dma_start3A_30 = tpu.memref_slice %arg5[%dma_start3A_23] : memref<6x!tpu.dma_semaphore, #tpu.memory_space<semaphore_mem>> -> memref<1x!tpu.dma_semaphore, #tpu.memory_space<semaphore_mem>>
    %dma_start3A_31 = tpu.memref_squeeze %dma_start3A_30 : memref<1x!tpu.dma_semaphore, #tpu.memory_space<semaphore_mem>> -> memref<!tpu.dma_semaphore, #tpu.memory_space<semaphore_mem>>
    %dma_start3A_32 = arith.constant 0 : i32
    %dma_start3A_33 = arith.constant 0 : i32
    %dma_start3A_34 = tpu.memref_slice %arg4[%dma_start3A_22, %dma_start3A_32, %dma_start3A_33] : memref<6x16x1024xf32, #tpu.memory_space<vmem>> -> memref<1x16x1024xf32, #tpu.memory_space<vmem>>
    %dma_start3A_35 = tpu.memref_squeeze %dma_start3A_34 : memref<1x16x1024xf32, #tpu.memory_space<vmem>> -> memref<16x1024xf32, #tpu.memory_space<vmem>>
    %dma_start3A_36 = arith.constant 0 : i32
    %dma_start3A_37 = tpu.memref_slice %arg2[%add3A_21, %dma_start3A_36] : memref<8192x1024xf32, #tpu.memory_space<hbm>> -> memref<16x1024xf32, #tpu.memory_space<hbm>>
    tpu.enqueue_dma source(%dma_start3A_37 : memref<16x1024xf32, #tpu.memory_space<hbm>>) target(%dma_start3A_35 : memref<16x1024xf32, #tpu.memory_space<vmem>>) target_semaphore(%dma_start3A_31 : memref<!tpu.dma_semaphore, #tpu.memory_space<semaphore_mem>>)
    %add3A_38 = arith.constant 32 : i32
    %add3A_39 = arith.addi %mul3A_2, %add3A_38 : i32
    %dma_start3A_40 = arith.constant 2 : i32
    %dma_start3A_41 = arith.constant 2 : i32
    %dma_start3A_42 = arith.constant 0 : i32
    %dma_start3A_43 = arith.constant 0 : i32
    %dma_start3A_44 = tpu.memref_slice %arg4[%dma_start3A_40, %dma_start3A_42, %dma_start3A_43] : memref<6x16x1024xf32, #tpu.memory_space<vmem>> -> memref<1x16x1024xf32, #tpu.memory_space<vmem>>
    %dma_start3A_45 = tpu.memref_squeeze %dma_start3A_44 : memref<1x16x1024xf32, #tpu.memory_space<vmem>> -> memref<16x1024xf32, #tpu.memory_space<vmem>>
    %dma_start3A_46 = arith.constant 0 : i32
    %dma_start3A_47 = tpu.memref_slice %arg2[%add3A_39, %dma_start3A_46] : memref<8192x1024xf32, #tpu.memory_space<hbm>> -> memref<16x1024xf32, #tpu.memory_space<hbm>>
    %dma_start3A_48 = tpu.memref_slice %arg5[%dma_start3A_41] : memref<6x!tpu.dma_semaphore, #tpu.memory_space<semaphore_mem>> -> memref<1x!tpu.dma_semaphore, #tpu.memory_space<semaphore_mem>>
    %dma_start3A_49 = tpu.memref_squeeze %dma_start3A_48 : memref<1x!tpu.dma_semaphore, #tpu.memory_space<semaphore_mem>> -> memref<!tpu.dma_semaphore, #tpu.memory_space<semaphore_mem>>
    %dma_start3A_50 = arith.constant 0 : i32
    %dma_start3A_51 = arith.constant 0 : i32
    %dma_start3A_52 = tpu.memref_slice %arg4[%dma_start3A_40, %dma_start3A_50, %dma_start3A_51] : memref<6x16x1024xf32, #tpu.memory_space<vmem>> -> memref<1x16x1024xf32, #tpu.memory_space<vmem>>
    %dma_start3A_53 = tpu.memref_squeeze %dma_start3A_52 : memref<1x16x1024xf32, #tpu.memory_space<vmem>> -> memref<16x1024xf32, #tpu.memory_space<vmem>>
    %dma_start3A_54 = arith.constant 0 : i32
    %dma_start3A_55 = tpu.memref_slice %arg2[%add3A_39, %dma_start3A_54] : memref<8192x1024xf32, #tpu.memory_space<hbm>> -> memref<16x1024xf32, #tpu.memory_space<hbm>>
    tpu.enqueue_dma source(%dma_start3A_55 : memref<16x1024xf32, #tpu.memory_space<hbm>>) target(%dma_start3A_53 : memref<16x1024xf32, #tpu.memory_space<vmem>>) target_semaphore(%dma_start3A_49 : memref<!tpu.dma_semaphore, #tpu.memory_space<semaphore_mem>>)
    %add3A_56 = arith.constant 48 : i32
    %add3A_57 = arith.addi %mul3A_2, %add3A_56 : i32
    %dma_start3A_58 = arith.constant 3 : i32
    %dma_start3A_59 = arith.constant 3 : i32
    %dma_start3A_60 = arith.constant 0 : i32
    %dma_start3A_61 = arith.constant 0 : i32
    %dma_start3A_62 = tpu.memref_slice %arg4[%dma_start3A_58, %dma_start3A_60, %dma_start3A_61] : memref<6x16x1024xf32, #tpu.memory_space<vmem>> -> memref<1x16x1024xf32, #tpu.memory_space<vmem>>
    %dma_start3A_63 = tpu.memref_squeeze %dma_start3A_62 : memref<1x16x1024xf32, #tpu.memory_space<vmem>> -> memref<16x1024xf32, #tpu.memory_space<vmem>>
    %dma_start3A_64 = arith.constant 0 : i32
    %dma_start3A_65 = tpu.memref_slice %arg2[%add3A_57, %dma_start3A_64] : memref<8192x1024xf32, #tpu.memory_space<hbm>> -> memref<16x1024xf32, #tpu.memory_space<hbm>>
    %dma_start3A_66 = tpu.memref_slice %arg5[%dma_start3A_59] : memref<6x!tpu.dma_semaphore, #tpu.memory_space<semaphore_mem>> -> memref<1x!tpu.dma_semaphore, #tpu.memory_space<semaphore_mem>>
    %dma_start3A_67 = tpu.memref_squeeze %dma_start3A_66 : memref<1x!tpu.dma_semaphore, #tpu.memory_space<semaphore_mem>> -> memref<!tpu.dma_semaphore, #tpu.memory_space<semaphore_mem>>
    %dma_start3A_68 = arith.constant 0 : i32
    %dma_start3A_69 = arith.constant 0 : i32
    %dma_start3A_70 = tpu.memref_slice %arg4[%dma_start3A_58, %dma_start3A_68, %dma_start3A_69] : memref<6x16x1024xf32, #tpu.memory_space<vmem>> -> memref<1x16x1024xf32, #tpu.memory_space<vmem>>
    %dma_start3A_71 = tpu.memref_squeeze %dma_start3A_70 : memref<1x16x1024xf32, #tpu.memory_space<vmem>> -> memref<16x1024xf32, #tpu.memory_space<vmem>>
    %dma_start3A_72 = arith.constant 0 : i32
    %dma_start3A_73 = tpu.memref_slice %arg2[%add3A_57, %dma_start3A_72] : memref<8192x1024xf32, #tpu.memory_space<hbm>> -> memref<16x1024xf32, #tpu.memory_space<hbm>>
    tpu.enqueue_dma source(%dma_start3A_73 : memref<16x1024xf32, #tpu.memory_space<hbm>>) target(%dma_start3A_71 : memref<16x1024xf32, #tpu.memory_space<vmem>>) target_semaphore(%dma_start3A_67 : memref<!tpu.dma_semaphore, #tpu.memory_space<semaphore_mem>>)
    %dma_wait3A = arith.constant 0 : i32
    %dma_wait3A_74 = arith.constant 0 : i32
    %dma_wait3A_75 = arith.constant 0 : i32
    %dma_wait3A_76 = arith.constant 0 : i32
    %dma_wait3A_77 = tpu.memref_slice %arg4[%dma_wait3A, %dma_wait3A_75, %dma_wait3A_76] : memref<6x16x1024xf32, #tpu.memory_space<vmem>> -> memref<1x16x1024xf32, #tpu.memory_space<vmem>>
    %dma_wait3A_78 = tpu.memref_squeeze %dma_wait3A_77 : memref<1x16x1024xf32, #tpu.memory_space<vmem>> -> memref<16x1024xf32, #tpu.memory_space<vmem>>
    %dma_wait3A_79 = arith.constant 0 : i32
    %dma_wait3A_80 = tpu.memref_slice %arg2[%add3A_4, %dma_wait3A_79] : memref<8192x1024xf32, #tpu.memory_space<hbm>> -> memref<16x1024xf32, #tpu.memory_space<hbm>>
    %dma_wait3A_81 = tpu.memref_slice %arg5[%dma_wait3A_74] : memref<6x!tpu.dma_semaphore, #tpu.memory_space<semaphore_mem>> -> memref<1x!tpu.dma_semaphore, #tpu.memory_space<semaphore_mem>>
    %dma_wait3A_82 = tpu.memref_squeeze %dma_wait3A_81 : memref<1x!tpu.dma_semaphore, #tpu.memory_space<semaphore_mem>> -> memref<!tpu.dma_semaphore, #tpu.memory_space<semaphore_mem>>
    %dma_wait3A_83 = arith.constant 0 : i32
    %dma_wait3A_84 = arith.constant 0 : i32
    %dma_wait3A_85 = tpu.memref_slice %arg4[%dma_wait3A, %dma_wait3A_83, %dma_wait3A_84] : memref<6x16x1024xf32, #tpu.memory_space<vmem>> -> memref<1x16x1024xf32, #tpu.memory_space<vmem>>
    %dma_wait3A_86 = tpu.memref_squeeze %dma_wait3A_85 : memref<1x16x1024xf32, #tpu.memory_space<vmem>> -> memref<16x1024xf32, #tpu.memory_space<vmem>>
    %dma_wait3A_87 = arith.constant 0 : i32
    %dma_wait3A_88 = tpu.memref_slice %arg2[%add3A_4, %dma_wait3A_87] : memref<8192x1024xf32, #tpu.memory_space<hbm>> -> memref<16x1024xf32, #tpu.memory_space<hbm>>
    tpu.wait_dma2 semaphore(%dma_wait3A_82 : memref<!tpu.dma_semaphore, #tpu.memory_space<semaphore_mem>>) src(%dma_wait3A_88 : memref<16x1024xf32, #tpu.memory_space<hbm>>) dst(%dma_wait3A_86 : memref<16x1024xf32, #tpu.memory_space<vmem>>)
    %add3A_89 = arith.constant 0 : i32
    %add3A_90 = arith.addi %mul3A_2, %add3A_89 : i32
    %dma_start3A_91 = arith.constant 0 : i32
    %dma_start3A_92 = arith.constant 0 : i32
    %dma_start3A_93 = arith.constant 0 : i32
    %dma_start3A_94 = arith.constant 0 : i32
    %dma_start3A_95 = tpu.memref_slice %arg4[%dma_start3A_91, %dma_start3A_93, %dma_start3A_94] : memref<6x16x1024xf32, #tpu.memory_space<vmem>> -> memref<1x16x1024xf32, #tpu.memory_space<vmem>>
    %dma_start3A_96 = tpu.memref_squeeze %dma_start3A_95 : memref<1x16x1024xf32, #tpu.memory_space<vmem>> -> memref<16x1024xf32, #tpu.memory_space<vmem>>
    %dma_start3A_97 = arith.constant 0 : i32
    %dma_start3A_98 = tpu.memref_slice %arg3[%add3A_90, %dma_start3A_97] : memref<8192x1024xf32, #tpu.memory_space<hbm>> -> memref<16x1024xf32, #tpu.memory_space<hbm>>
    %dma_start3A_99 = tpu.memref_slice %arg6[%dma_start3A_92] : memref<6x!tpu.dma_semaphore, #tpu.memory_space<semaphore_mem>> -> memref<1x!tpu.dma_semaphore, #tpu.memory_space<semaphore_mem>>
    %dma_start3A_100 = tpu.memref_squeeze %dma_start3A_99 : memref<1x!tpu.dma_semaphore, #tpu.memory_space<semaphore_mem>> -> memref<!tpu.dma_semaphore, #tpu.memory_space<semaphore_mem>>
    %dma_start3A_101 = arith.constant 0 : i32
    %dma_start3A_102 = tpu.memref_slice %arg3[%add3A_90, %dma_start3A_101] : memref<8192x1024xf32, #tpu.memory_space<hbm>> -> memref<16x1024xf32, #tpu.memory_space<hbm>>
    %dma_start3A_103 = arith.constant 0 : i32
    %dma_start3A_104 = arith.constant 0 : i32
    %dma_start3A_105 = tpu.memref_slice %arg4[%dma_start3A_91, %dma_start3A_103, %dma_start3A_104] : memref<6x16x1024xf32, #tpu.memory_space<vmem>> -> memref<1x16x1024xf32, #tpu.memory_space<vmem>>
    %dma_start3A_106 = tpu.memref_squeeze %dma_start3A_105 : memref<1x16x1024xf32, #tpu.memory_space<vmem>> -> memref<16x1024xf32, #tpu.memory_space<vmem>>
    tpu.enqueue_dma source(%dma_start3A_106 : memref<16x1024xf32, #tpu.memory_space<vmem>>) target(%dma_start3A_102 : memref<16x1024xf32, #tpu.memory_space<hbm>>) target_semaphore(%dma_start3A_100 : memref<!tpu.dma_semaphore, #tpu.memory_space<semaphore_mem>>)
    %add3A_107 = arith.constant 64 : i32
    %add3A_108 = arith.addi %mul3A_2, %add3A_107 : i32
    %dma_start3A_109 = arith.constant 4 : i32
    %dma_start3A_110 = arith.constant 4 : i32
    %dma_start3A_111 = arith.constant 0 : i32
    %dma_start3A_112 = arith.constant 0 : i32
    %dma_start3A_113 = tpu.memref_slice %arg4[%dma_start3A_109, %dma_start3A_111, %dma_start3A_112] : memref<6x16x1024xf32, #tpu.memory_space<vmem>> -> memref<1x16x1024xf32, #tpu.memory_space<vmem>>
    %dma_start3A_114 = tpu.memref_squeeze %dma_start3A_113 : memref<1x16x1024xf32, #tpu.memory_space<vmem>> -> memref<16x1024xf32, #tpu.memory_space<vmem>>
    %dma_start3A_115 = arith.constant 0 : i32
    %dma_start3A_116 = tpu.memref_slice %arg2[%add3A_108, %dma_start3A_115] : memref<8192x1024xf32, #tpu.memory_space<hbm>> -> memref<16x1024xf32, #tpu.memory_space<hbm>>
    %dma_start3A_117 = tpu.memref_slice %arg5[%dma_start3A_110] : memref<6x!tpu.dma_semaphore, #tpu.memory_space<semaphore_mem>> -> memref<1x!tpu.dma_semaphore, #tpu.memory_space<semaphore_mem>>
    %dma_start3A_118 = tpu.memref_squeeze %dma_start3A_117 : memref<1x!tpu.dma_semaphore, #tpu.memory_space<semaphore_mem>> -> memref<!tpu.dma_semaphore, #tpu.memory_space<semaphore_mem>>
    %dma_start3A_119 = arith.constant 0 : i32
    %dma_start3A_120 = arith.constant 0 : i32
    %dma_start3A_121 = tpu.memref_slice %arg4[%dma_start3A_109, %dma_start3A_119, %dma_start3A_120] : memref<6x16x1024xf32, #tpu.memory_space<vmem>> -> memref<1x16x1024xf32, #tpu.memory_space<vmem>>
    %dma_start3A_122 = tpu.memref_squeeze %dma_start3A_121 : memref<1x16x1024xf32, #tpu.memory_space<vmem>> -> memref<16x1024xf32, #tpu.memory_space<vmem>>
    %dma_start3A_123 = arith.constant 0 : i32
    %dma_start3A_124 = tpu.memref_slice %arg2[%add3A_108, %dma_start3A_123] : memref<8192x1024xf32, #tpu.memory_space<hbm>> -> memref<16x1024xf32, #tpu.memory_space<hbm>>
    tpu.enqueue_dma source(%dma_start3A_124 : memref<16x1024xf32, #tpu.memory_space<hbm>>) target(%dma_start3A_122 : memref<16x1024xf32, #tpu.memory_space<vmem>>) target_semaphore(%dma_start3A_118 : memref<!tpu.dma_semaphore, #tpu.memory_space<semaphore_mem>>)
    %dma_wait3A_125 = arith.constant 1 : i32
    %dma_wait3A_126 = arith.constant 1 : i32
    %dma_wait3A_127 = arith.constant 0 : i32
    %dma_wait3A_128 = arith.constant 0 : i32
    %dma_wait3A_129 = tpu.memref_slice %arg4[%dma_wait3A_125, %dma_wait3A_127, %dma_wait3A_128] : memref<6x16x1024xf32, #tpu.memory_space<vmem>> -> memref<1x16x1024xf32, #tpu.memory_space<vmem>>
    %dma_wait3A_130 = tpu.memref_squeeze %dma_wait3A_129 : memref<1x16x1024xf32, #tpu.memory_space<vmem>> -> memref<16x1024xf32, #tpu.memory_space<vmem>>
    %dma_wait3A_131 = arith.constant 0 : i32
    %dma_wait3A_132 = tpu.memref_slice %arg2[%add3A_21, %dma_wait3A_131] : memref<8192x1024xf32, #tpu.memory_space<hbm>> -> memref<16x1024xf32, #tpu.memory_space<hbm>>
    %dma_wait3A_133 = tpu.memref_slice %arg5[%dma_wait3A_126] : memref<6x!tpu.dma_semaphore, #tpu.memory_space<semaphore_mem>> -> memref<1x!tpu.dma_semaphore, #tpu.memory_space<semaphore_mem>>
    %dma_wait3A_134 = tpu.memref_squeeze %dma_wait3A_133 : memref<1x!tpu.dma_semaphore, #tpu.memory_space<semaphore_mem>> -> memref<!tpu.dma_semaphore, #tpu.memory_space<semaphore_mem>>
    %dma_wait3A_135 = arith.constant 0 : i32
    %dma_wait3A_136 = arith.constant 0 : i32
    %dma_wait3A_137 = tpu.memref_slice %arg4[%dma_wait3A_125, %dma_wait3A_135, %dma_wait3A_136] : memref<6x16x1024xf32, #tpu.memory_space<vmem>> -> memref<1x16x1024xf32, #tpu.memory_space<vmem>>
    %dma_wait3A_138 = tpu.memref_squeeze %dma_wait3A_137 : memref<1x16x1024xf32, #tpu.memory_space<vmem>> -> memref<16x1024xf32, #tpu.memory_space<vmem>>
    %dma_wait3A_139 = arith.constant 0 : i32
    %dma_wait3A_140 = tpu.memref_slice %arg2[%add3A_21, %dma_wait3A_139] : memref<8192x1024xf32, #tpu.memory_space<hbm>> -> memref<16x1024xf32, #tpu.memory_space<hbm>>
    tpu.wait_dma2 semaphore(%dma_wait3A_134 : memref<!tpu.dma_semaphore, #tpu.memory_space<semaphore_mem>>) src(%dma_wait3A_140 : memref<16x1024xf32, #tpu.memory_space<hbm>>) dst(%dma_wait3A_138 : memref<16x1024xf32, #tpu.memory_space<vmem>>)
    %add3A_141 = arith.constant 16 : i32
    %add3A_142 = arith.addi %mul3A_2, %add3A_141 : i32
    %dma_start3A_143 = arith.constant 1 : i32
    %dma_start3A_144 = arith.constant 1 : i32
    %dma_start3A_145 = arith.constant 0 : i32
    %dma_start3A_146 = arith.constant 0 : i32
    %dma_start3A_147 = tpu.memref_slice %arg4[%dma_start3A_143, %dma_start3A_145, %dma_start3A_146] : memref<6x16x1024xf32, #tpu.memory_space<vmem>> -> memref<1x16x1024xf32, #tpu.memory_space<vmem>>
    %dma_start3A_148 = tpu.memref_squeeze %dma_start3A_147 : memref<1x16x1024xf32, #tpu.memory_space<vmem>> -> memref<16x1024xf32, #tpu.memory_space<vmem>>
    %dma_start3A_149 = arith.constant 0 : i32
    %dma_start3A_150 = tpu.memref_slice %arg3[%add3A_142, %dma_start3A_149] : memref<8192x1024xf32, #tpu.memory_space<hbm>> -> memref<16x1024xf32, #tpu.memory_space<hbm>>
    %dma_start3A_151 = tpu.memref_slice %arg6[%dma_start3A_144] : memref<6x!tpu.dma_semaphore, #tpu.memory_space<semaphore_mem>> -> memref<1x!tpu.dma_semaphore, #tpu.memory_space<semaphore_mem>>
    %dma_start3A_152 = tpu.memref_squeeze %dma_start3A_151 : memref<1x!tpu.dma_semaphore, #tpu.memory_space<semaphore_mem>> -> memref<!tpu.dma_semaphore, #tpu.memory_space<semaphore_mem>>
    %dma_start3A_153 = arith.constant 0 : i32
    %dma_start3A_154 = tpu.memref_slice %arg3[%add3A_142, %dma_start3A_153] : memref<8192x1024xf32, #tpu.memory_space<hbm>> -> memref<16x1024xf32, #tpu.memory_space<hbm>>
    %dma_start3A_155 = arith.constant 0 : i32
    %dma_start3A_156 = arith.constant 0 : i32
    %dma_start3A_157 = tpu.memref_slice %arg4[%dma_start3A_143, %dma_start3A_155, %dma_start3A_156] : memref<6x16x1024xf32, #tpu.memory_space<vmem>> -> memref<1x16x1024xf32, #tpu.memory_space<vmem>>
    %dma_start3A_158 = tpu.memref_squeeze %dma_start3A_157 : memref<1x16x1024xf32, #tpu.memory_space<vmem>> -> memref<16x1024xf32, #tpu.memory_space<vmem>>
    tpu.enqueue_dma source(%dma_start3A_158 : memref<16x1024xf32, #tpu.memory_space<vmem>>) target(%dma_start3A_154 : memref<16x1024xf32, #tpu.memory_space<hbm>>) target_semaphore(%dma_start3A_152 : memref<!tpu.dma_semaphore, #tpu.memory_space<semaphore_mem>>)
    %add3A_159 = arith.constant 80 : i32
    %add3A_160 = arith.addi %mul3A_2, %add3A_159 : i32
    %dma_start3A_161 = arith.constant 5 : i32
    %dma_start3A_162 = arith.constant 5 : i32
    %dma_start3A_163 = arith.constant 0 : i32
    %dma_start3A_164 = arith.constant 0 : i32
    %dma_start3A_165 = tpu.memref_slice %arg4[%dma_start3A_161, %dma_start3A_163, %dma_start3A_164] : memref<6x16x1024xf32, #tpu.memory_space<vmem>> -> memref<1x16x1024xf32, #tpu.memory_space<vmem>>
    %dma_start3A_166 = tpu.memref_squeeze %dma_start3A_165 : memref<1x16x1024xf32, #tpu.memory_space<vmem>> -> memref<16x1024xf32, #tpu.memory_space<vmem>>
    %dma_start3A_167 = arith.constant 0 : i32
    %dma_start3A_168 = tpu.memref_slice %arg2[%add3A_160, %dma_start3A_167] : memref<8192x1024xf32, #tpu.memory_space<hbm>> -> memref<16x1024xf32, #tpu.memory_space<hbm>>
    %dma_start3A_169 = tpu.memref_slice %arg5[%dma_start3A_162] : memref<6x!tpu.dma_semaphore, #tpu.memory_space<semaphore_mem>> -> memref<1x!tpu.dma_semaphore, #tpu.memory_space<semaphore_mem>>
    %dma_start3A_170 = tpu.memref_squeeze %dma_start3A_169 : memref<1x!tpu.dma_semaphore, #tpu.memory_space<semaphore_mem>> -> memref<!tpu.dma_semaphore, #tpu.memory_space<semaphore_mem>>
    %dma_start3A_171 = arith.constant 0 : i32
    %dma_start3A_172 = arith.constant 0 : i32
    %dma_start3A_173 = tpu.memref_slice %arg4[%dma_start3A_161, %dma_start3A_171, %dma_start3A_172] : memref<6x16x1024xf32, #tpu.memory_space<vmem>> -> memref<1x16x1024xf32, #tpu.memory_space<vmem>>
    %dma_start3A_174 = tpu.memref_squeeze %dma_start3A_173 : memref<1x16x1024xf32, #tpu.memory_space<vmem>> -> memref<16x1024xf32, #tpu.memory_space<vmem>>
    %dma_start3A_175 = arith.constant 0 : i32
    %dma_start3A_176 = tpu.memref_slice %arg2[%add3A_160, %dma_start3A_175] : memref<8192x1024xf32, #tpu.memory_space<hbm>> -> memref<16x1024xf32, #tpu.memory_space<hbm>>
    tpu.enqueue_dma source(%dma_start3A_176 : memref<16x1024xf32, #tpu.memory_space<hbm>>) target(%dma_start3A_174 : memref<16x1024xf32, #tpu.memory_space<vmem>>) target_semaphore(%dma_start3A_170 : memref<!tpu.dma_semaphore, #tpu.memory_space<semaphore_mem>>)
    %dma_wait3A_177 = arith.constant 2 : i32
    %dma_wait3A_178 = arith.constant 2 : i32
    %dma_wait3A_179 = arith.constant 0 : i32
    %dma_wait3A_180 = arith.constant 0 : i32
    %dma_wait3A_181 = tpu.memref_slice %arg4[%dma_wait3A_177, %dma_wait3A_179, %dma_wait3A_180] : memref<6x16x1024xf32, #tpu.memory_space<vmem>> -> memref<1x16x1024xf32, #tpu.memory_space<vmem>>
    %dma_wait3A_182 = tpu.memref_squeeze %dma_wait3A_181 : memref<1x16x1024xf32, #tpu.memory_space<vmem>> -> memref<16x1024xf32, #tpu.memory_space<vmem>>
    %dma_wait3A_183 = arith.constant 0 : i32
    %dma_wait3A_184 = tpu.memref_slice %arg2[%add3A_39, %dma_wait3A_183] : memref<8192x1024xf32, #tpu.memory_space<hbm>> -> memref<16x1024xf32, #tpu.memory_space<hbm>>
    %dma_wait3A_185 = tpu.memref_slice %arg5[%dma_wait3A_178] : memref<6x!tpu.dma_semaphore, #tpu.memory_space<semaphore_mem>> -> memref<1x!tpu.dma_semaphore, #tpu.memory_space<semaphore_mem>>
    %dma_wait3A_186 = tpu.memref_squeeze %dma_wait3A_185 : memref<1x!tpu.dma_semaphore, #tpu.memory_space<semaphore_mem>> -> memref<!tpu.dma_semaphore, #tpu.memory_space<semaphore_mem>>
    %dma_wait3A_187 = arith.constant 0 : i32
    %dma_wait3A_188 = arith.constant 0 : i32
    %dma_wait3A_189 = tpu.memref_slice %arg4[%dma_wait3A_177, %dma_wait3A_187, %dma_wait3A_188] : memref<6x16x1024xf32, #tpu.memory_space<vmem>> -> memref<1x16x1024xf32, #tpu.memory_space<vmem>>
    %dma_wait3A_190 = tpu.memref_squeeze %dma_wait3A_189 : memref<1x16x1024xf32, #tpu.memory_space<vmem>> -> memref<16x1024xf32, #tpu.memory_space<vmem>>
    %dma_wait3A_191 = arith.constant 0 : i32
    %dma_wait3A_192 = tpu.memref_slice %arg2[%add3A_39, %dma_wait3A_191] : memref<8192x1024xf32, #tpu.memory_space<hbm>> -> memref<16x1024xf32, #tpu.memory_space<hbm>>
    tpu.wait_dma2 semaphore(%dma_wait3A_186 : memref<!tpu.dma_semaphore, #tpu.memory_space<semaphore_mem>>) src(%dma_wait3A_192 : memref<16x1024xf32, #tpu.memory_space<hbm>>) dst(%dma_wait3A_190 : memref<16x1024xf32, #tpu.memory_space<vmem>>)
    %add3A_193 = arith.constant 32 : i32
    %add3A_194 = arith.addi %mul3A_2, %add3A_193 : i32
    %dma_start3A_195 = arith.constant 2 : i32
    %dma_start3A_196 = arith.constant 2 : i32
    %dma_start3A_197 = arith.constant 0 : i32
    %dma_start3A_198 = arith.constant 0 : i32
    %dma_start3A_199 = tpu.memref_slice %arg4[%dma_start3A_195, %dma_start3A_197, %dma_start3A_198] : memref<6x16x1024xf32, #tpu.memory_space<vmem>> -> memref<1x16x1024xf32, #tpu.memory_space<vmem>>
    %dma_start3A_200 = tpu.memref_squeeze %dma_start3A_199 : memref<1x16x1024xf32, #tpu.memory_space<vmem>> -> memref<16x1024xf32, #tpu.memory_space<vmem>>
    %dma_start3A_201 = arith.constant 0 : i32
    %dma_start3A_202 = tpu.memref_slice %arg3[%add3A_194, %dma_start3A_201] : memref<8192x1024xf32, #tpu.memory_space<hbm>> -> memref<16x1024xf32, #tpu.memory_space<hbm>>
    %dma_start3A_203 = tpu.memref_slice %arg6[%dma_start3A_196] : memref<6x!tpu.dma_semaphore, #tpu.memory_space<semaphore_mem>> -> memref<1x!tpu.dma_semaphore, #tpu.memory_space<semaphore_mem>>
    %dma_start3A_204 = tpu.memref_squeeze %dma_start3A_203 : memref<1x!tpu.dma_semaphore, #tpu.memory_space<semaphore_mem>> -> memref<!tpu.dma_semaphore, #tpu.memory_space<semaphore_mem>>
    %dma_start3A_205 = arith.constant 0 : i32
    %dma_start3A_206 = tpu.memref_slice %arg3[%add3A_194, %dma_start3A_205] : memref<8192x1024xf32, #tpu.memory_space<hbm>> -> memref<16x1024xf32, #tpu.memory_space<hbm>>
    %dma_start3A_207 = arith.constant 0 : i32
    %dma_start3A_208 = arith.constant 0 : i32
    %dma_start3A_209 = tpu.memref_slice %arg4[%dma_start3A_195, %dma_start3A_207, %dma_start3A_208] : memref<6x16x1024xf32, #tpu.memory_space<vmem>> -> memref<1x16x1024xf32, #tpu.memory_space<vmem>>
    %dma_start3A_210 = tpu.memref_squeeze %dma_start3A_209 : memref<1x16x1024xf32, #tpu.memory_space<vmem>> -> memref<16x1024xf32, #tpu.memory_space<vmem>>
    tpu.enqueue_dma source(%dma_start3A_210 : memref<16x1024xf32, #tpu.memory_space<vmem>>) target(%dma_start3A_206 : memref<16x1024xf32, #tpu.memory_space<hbm>>) target_semaphore(%dma_start3A_204 : memref<!tpu.dma_semaphore, #tpu.memory_space<semaphore_mem>>)
    %dma_wait3A_211 = arith.constant 0 : i32
    %dma_wait3A_212 = arith.constant 0 : i32
    %dma_wait3A_213 = arith.constant 0 : i32
    %dma_wait3A_214 = arith.constant 0 : i32
    %dma_wait3A_215 = tpu.memref_slice %arg4[%dma_wait3A_211, %dma_wait3A_213, %dma_wait3A_214] : memref<6x16x1024xf32, #tpu.memory_space<vmem>> -> memref<1x16x1024xf32, #tpu.memory_space<vmem>>
    %dma_wait3A_216 = tpu.memref_squeeze %dma_wait3A_215 : memref<1x16x1024xf32, #tpu.memory_space<vmem>> -> memref<16x1024xf32, #tpu.memory_space<vmem>>
    %dma_wait3A_217 = arith.constant 0 : i32
    %dma_wait3A_218 = tpu.memref_slice %arg3[%add3A_90, %dma_wait3A_217] : memref<8192x1024xf32, #tpu.memory_space<hbm>> -> memref<16x1024xf32, #tpu.memory_space<hbm>>
    %dma_wait3A_219 = tpu.memref_slice %arg6[%dma_wait3A_212] : memref<6x!tpu.dma_semaphore, #tpu.memory_space<semaphore_mem>> -> memref<1x!tpu.dma_semaphore, #tpu.memory_space<semaphore_mem>>
    %dma_wait3A_220 = tpu.memref_squeeze %dma_wait3A_219 : memref<1x!tpu.dma_semaphore, #tpu.memory_space<semaphore_mem>> -> memref<!tpu.dma_semaphore, #tpu.memory_space<semaphore_mem>>
    %dma_wait3A_221 = arith.constant 0 : i32
    %dma_wait3A_222 = tpu.memref_slice %arg3[%add3A_90, %dma_wait3A_221] : memref<8192x1024xf32, #tpu.memory_space<hbm>> -> memref<16x1024xf32, #tpu.memory_space<hbm>>
    %dma_wait3A_223 = arith.constant 0 : i32
    %dma_wait3A_224 = arith.constant 0 : i32
    %dma_wait3A_225 = tpu.memref_slice %arg4[%dma_wait3A_211, %dma_wait3A_223, %dma_wait3A_224] : memref<6x16x1024xf32, #tpu.memory_space<vmem>> -> memref<1x16x1024xf32, #tpu.memory_space<vmem>>
    %dma_wait3A_226 = tpu.memref_squeeze %dma_wait3A_225 : memref<1x16x1024xf32, #tpu.memory_space<vmem>> -> memref<16x1024xf32, #tpu.memory_space<vmem>>
    tpu.wait_dma2 semaphore(%dma_wait3A_220 : memref<!tpu.dma_semaphore, #tpu.memory_space<semaphore_mem>>) src(%dma_wait3A_226 : memref<16x1024xf32, #tpu.memory_space<vmem>>) dst(%dma_wait3A_222 : memref<16x1024xf32, #tpu.memory_space<hbm>>)
    %add3A_227 = arith.constant 96 : i32
    %add3A_228 = arith.addi %mul3A_2, %add3A_227 : i32
    %dma_start3A_229 = arith.constant 0 : i32
    %dma_start3A_230 = arith.constant 0 : i32
    %dma_start3A_231 = arith.constant 0 : i32
    %dma_start3A_232 = arith.constant 0 : i32
    %dma_start3A_233 = tpu.memref_slice %arg4[%dma_start3A_229, %dma_start3A_231, %dma_start3A_232] : memref<6x16x1024xf32, #tpu.memory_space<vmem>> -> memref<1x16x1024xf32, #tpu.memory_space<vmem>>
    %dma_start3A_234 = tpu.memref_squeeze %dma_start3A_233 : memref<1x16x1024xf32, #tpu.memory_space<vmem>> -> memref<16x1024xf32, #tpu.memory_space<vmem>>
    %dma_start3A_235 = arith.constant 0 : i32
    %dma_start3A_236 = tpu.memref_slice %arg2[%add3A_228, %dma_start3A_235] : memref<8192x1024xf32, #tpu.memory_space<hbm>> -> memref<16x1024xf32, #tpu.memory_space<hbm>>
    %dma_start3A_237 = tpu.memref_slice %arg5[%dma_start3A_230] : memref<6x!tpu.dma_semaphore, #tpu.memory_space<semaphore_mem>> -> memref<1x!tpu.dma_semaphore, #tpu.memory_space<semaphore_mem>>
    %dma_start3A_238 = tpu.memref_squeeze %dma_start3A_237 : memref<1x!tpu.dma_semaphore, #tpu.memory_space<semaphore_mem>> -> memref<!tpu.dma_semaphore, #tpu.memory_space<semaphore_mem>>
    %dma_start3A_239 = arith.constant 0 : i32
    %dma_start3A_240 = arith.constant 0 : i32
    %dma_start3A_241 = tpu.memref_slice %arg4[%dma_start3A_229, %dma_start3A_239, %dma_start3A_240] : memref<6x16x1024xf32, #tpu.memory_space<vmem>> -> memref<1x16x1024xf32, #tpu.memory_space<vmem>>
    %dma_start3A_242 = tpu.memref_squeeze %dma_start3A_241 : memref<1x16x1024xf32, #tpu.memory_space<vmem>> -> memref<16x1024xf32, #tpu.memory_space<vmem>>
    %dma_start3A_243 = arith.constant 0 : i32
    %dma_start3A_244 = tpu.memref_slice %arg2[%add3A_228, %dma_start3A_243] : memref<8192x1024xf32, #tpu.memory_space<hbm>> -> memref<16x1024xf32, #tpu.memory_space<hbm>>
    tpu.enqueue_dma source(%dma_start3A_244 : memref<16x1024xf32, #tpu.memory_space<hbm>>) target(%dma_start3A_242 : memref<16x1024xf32, #tpu.memory_space<vmem>>) target_semaphore(%dma_start3A_238 : memref<!tpu.dma_semaphore, #tpu.memory_space<semaphore_mem>>)
    %dma_wait3A_245 = arith.constant 3 : i32
    %dma_wait3A_246 = arith.constant 3 : i32
    %dma_wait3A_247 = arith.constant 0 : i32
    %dma_wait3A_248 = arith.constant 0 : i32
    %dma_wait3A_249 = tpu.memref_slice %arg4[%dma_wait3A_245, %dma_wait3A_247, %dma_wait3A_248] : memref<6x16x1024xf32, #tpu.memory_space<vmem>> -> memref<1x16x1024xf32, #tpu.memory_space<vmem>>
    %dma_wait3A_250 = tpu.memref_squeeze %dma_wait3A_249 : memref<1x16x1024xf32, #tpu.memory_space<vmem>> -> memref<16x1024xf32, #tpu.memory_space<vmem>>
    %dma_wait3A_251 = arith.constant 0 : i32
    %dma_wait3A_252 = tpu.memref_slice %arg2[%add3A_57, %dma_wait3A_251] : memref<8192x1024xf32, #tpu.memory_space<hbm>> -> memref<16x1024xf32, #tpu.memory_space<hbm>>
    %dma_wait3A_253 = tpu.memref_slice %arg5[%dma_wait3A_246] : memref<6x!tpu.dma_semaphore, #tpu.memory_space<semaphore_mem>> -> memref<1x!tpu.dma_semaphore, #tpu.memory_space<semaphore_mem>>
    %dma_wait3A_254 = tpu.memref_squeeze %dma_wait3A_253 : memref<1x!tpu.dma_semaphore, #tpu.memory_space<semaphore_mem>> -> memref<!tpu.dma_semaphore, #tpu.memory_space<semaphore_mem>>
    %dma_wait3A_255 = arith.constant 0 : i32
    %dma_wait3A_256 = arith.constant 0 : i32
    %dma_wait3A_257 = tpu.memref_slice %arg4[%dma_wait3A_245, %dma_wait3A_255, %dma_wait3A_256] : memref<6x16x1024xf32, #tpu.memory_space<vmem>> -> memref<1x16x1024xf32, #tpu.memory_space<vmem>>
    %dma_wait3A_258 = tpu.memref_squeeze %dma_wait3A_257 : memref<1x16x1024xf32, #tpu.memory_space<vmem>> -> memref<16x1024xf32, #tpu.memory_space<vmem>>
    %dma_wait3A_259 = arith.constant 0 : i32
    %dma_wait3A_260 = tpu.memref_slice %arg2[%add3A_57, %dma_wait3A_259] : memref<8192x1024xf32, #tpu.memory_space<hbm>> -> memref<16x1024xf32, #tpu.memory_space<hbm>>
    tpu.wait_dma2 semaphore(%dma_wait3A_254 : memref<!tpu.dma_semaphore, #tpu.memory_space<semaphore_mem>>) src(%dma_wait3A_260 : memref<16x1024xf32, #tpu.memory_space<hbm>>) dst(%dma_wait3A_258 : memref<16x1024xf32, #tpu.memory_space<vmem>>)
    %add3A_261 = arith.constant 48 : i32
    %add3A_262 = arith.addi %mul3A_2, %add3A_261 : i32
    %dma_start3A_263 = arith.constant 3 : i32
    %dma_start3A_264 = arith.constant 3 : i32
    %dma_start3A_265 = arith.constant 0 : i32
    %dma_start3A_266 = arith.constant 0 : i32
    %dma_start3A_267 = tpu.memref_slice %arg4[%dma_start3A_263, %dma_start3A_265, %dma_start3A_266] : memref<6x16x1024xf32, #tpu.memory_space<vmem>> -> memref<1x16x1024xf32, #tpu.memory_space<vmem>>
    %dma_start3A_268 = tpu.memref_squeeze %dma_start3A_267 : memref<1x16x1024xf32, #tpu.memory_space<vmem>> -> memref<16x1024xf32, #tpu.memory_space<vmem>>
    %dma_start3A_269 = arith.constant 0 : i32
    %dma_start3A_270 = tpu.memref_slice %arg3[%add3A_262, %dma_start3A_269] : memref<8192x1024xf32, #tpu.memory_space<hbm>> -> memref<16x1024xf32, #tpu.memory_space<hbm>>
    %dma_start3A_271 = tpu.memref_slice %arg6[%dma_start3A_264] : memref<6x!tpu.dma_semaphore, #tpu.memory_space<semaphore_mem>> -> memref<1x!tpu.dma_semaphore, #tpu.memory_space<semaphore_mem>>
    %dma_start3A_272 = tpu.memref_squeeze %dma_start3A_271 : memref<1x!tpu.dma_semaphore, #tpu.memory_space<semaphore_mem>> -> memref<!tpu.dma_semaphore, #tpu.memory_space<semaphore_mem>>
    %dma_start3A_273 = arith.constant 0 : i32
    %dma_start3A_274 = tpu.memref_slice %arg3[%add3A_262, %dma_start3A_273] : memref<8192x1024xf32, #tpu.memory_space<hbm>> -> memref<16x1024xf32, #tpu.memory_space<hbm>>
    %dma_start3A_275 = arith.constant 0 : i32
    %dma_start3A_276 = arith.constant 0 : i32
    %dma_start3A_277 = tpu.memref_slice %arg4[%dma_start3A_263, %dma_start3A_275, %dma_start3A_276] : memref<6x16x1024xf32, #tpu.memory_space<vmem>> -> memref<1x16x1024xf32, #tpu.memory_space<vmem>>
    %dma_start3A_278 = tpu.memref_squeeze %dma_start3A_277 : memref<1x16x1024xf32, #tpu.memory_space<vmem>> -> memref<16x1024xf32, #tpu.memory_space<vmem>>
    tpu.enqueue_dma source(%dma_start3A_278 : memref<16x1024xf32, #tpu.memory_space<vmem>>) target(%dma_start3A_274 : memref<16x1024xf32, #tpu.memory_space<hbm>>) target_semaphore(%dma_start3A_272 : memref<!tpu.dma_semaphore, #tpu.memory_space<semaphore_mem>>)
    %dma_wait3A_279 = arith.constant 1 : i32
    %dma_wait3A_280 = arith.constant 1 : i32
    %dma_wait3A_281 = arith.constant 0 : i32
    %dma_wait3A_282 = arith.constant 0 : i32
    %dma_wait3A_283 = tpu.memref_slice %arg4[%dma_wait3A_279, %dma_wait3A_281, %dma_wait3A_282] : memref<6x16x1024xf32, #tpu.memory_space<vmem>> -> memref<1x16x1024xf32, #tpu.memory_space<vmem>>
    %dma_wait3A_284 = tpu.memref_squeeze %dma_wait3A_283 : memref<1x16x1024xf32, #tpu.memory_space<vmem>> -> memref<16x1024xf32, #tpu.memory_space<vmem>>
    %dma_wait3A_285 = arith.constant 0 : i32
    %dma_wait3A_286 = tpu.memref_slice %arg3[%add3A_142, %dma_wait3A_285] : memref<8192x1024xf32, #tpu.memory_space<hbm>> -> memref<16x1024xf32, #tpu.memory_space<hbm>>
    %dma_wait3A_287 = tpu.memref_slice %arg6[%dma_wait3A_280] : memref<6x!tpu.dma_semaphore, #tpu.memory_space<semaphore_mem>> -> memref<1x!tpu.dma_semaphore, #tpu.memory_space<semaphore_mem>>
    %dma_wait3A_288 = tpu.memref_squeeze %dma_wait3A_287 : memref<1x!tpu.dma_semaphore, #tpu.memory_space<semaphore_mem>> -> memref<!tpu.dma_semaphore, #tpu.memory_space<semaphore_mem>>
    %dma_wait3A_289 = arith.constant 0 : i32
    %dma_wait3A_290 = tpu.memref_slice %arg3[%add3A_142, %dma_wait3A_289] : memref<8192x1024xf32, #tpu.memory_space<hbm>> -> memref<16x1024xf32, #tpu.memory_space<hbm>>
    %dma_wait3A_291 = arith.constant 0 : i32
    %dma_wait3A_292 = arith.constant 0 : i32
    %dma_wait3A_293 = tpu.memref_slice %arg4[%dma_wait3A_279, %dma_wait3A_291, %dma_wait3A_292] : memref<6x16x1024xf32, #tpu.memory_space<vmem>> -> memref<1x16x1024xf32, #tpu.memory_space<vmem>>
    %dma_wait3A_294 = tpu.memref_squeeze %dma_wait3A_293 : memref<1x16x1024xf32, #tpu.memory_space<vmem>> -> memref<16x1024xf32, #tpu.memory_space<vmem>>
    tpu.wait_dma2 semaphore(%dma_wait3A_288 : memref<!tpu.dma_semaphore, #tpu.memory_space<semaphore_mem>>) src(%dma_wait3A_294 : memref<16x1024xf32, #tpu.memory_space<vmem>>) dst(%dma_wait3A_290 : memref<16x1024xf32, #tpu.memory_space<hbm>>)
    %add3A_295 = arith.constant 112 : i32
    %add3A_296 = arith.addi %mul3A_2, %add3A_295 : i32
    %dma_start3A_297 = arith.constant 1 : i32
    %dma_start3A_298 = arith.constant 1 : i32
    %dma_start3A_299 = arith.constant 0 : i32
    %dma_start3A_300 = arith.constant 0 : i32
    %dma_start3A_301 = tpu.memref_slice %arg4[%dma_start3A_297, %dma_start3A_299, %dma_start3A_300] : memref<6x16x1024xf32, #tpu.memory_space<vmem>> -> memref<1x16x1024xf32, #tpu.memory_space<vmem>>
    %dma_start3A_302 = tpu.memref_squeeze %dma_start3A_301 : memref<1x16x1024xf32, #tpu.memory_space<vmem>> -> memref<16x1024xf32, #tpu.memory_space<vmem>>
    %dma_start3A_303 = arith.constant 0 : i32
    %dma_start3A_304 = tpu.memref_slice %arg2[%add3A_296, %dma_start3A_303] : memref<8192x1024xf32, #tpu.memory_space<hbm>> -> memref<16x1024xf32, #tpu.memory_space<hbm>>
    %dma_start3A_305 = tpu.memref_slice %arg5[%dma_start3A_298] : memref<6x!tpu.dma_semaphore, #tpu.memory_space<semaphore_mem>> -> memref<1x!tpu.dma_semaphore, #tpu.memory_space<semaphore_mem>>
    %dma_start3A_306 = tpu.memref_squeeze %dma_start3A_305 : memref<1x!tpu.dma_semaphore, #tpu.memory_space<semaphore_mem>> -> memref<!tpu.dma_semaphore, #tpu.memory_space<semaphore_mem>>
    %dma_start3A_307 = arith.constant 0 : i32
    %dma_start3A_308 = arith.constant 0 : i32
    %dma_start3A_309 = tpu.memref_slice %arg4[%dma_start3A_297, %dma_start3A_307, %dma_start3A_308] : memref<6x16x1024xf32, #tpu.memory_space<vmem>> -> memref<1x16x1024xf32, #tpu.memory_space<vmem>>
    %dma_start3A_310 = tpu.memref_squeeze %dma_start3A_309 : memref<1x16x1024xf32, #tpu.memory_space<vmem>> -> memref<16x1024xf32, #tpu.memory_space<vmem>>
    %dma_start3A_311 = arith.constant 0 : i32
    %dma_start3A_312 = tpu.memref_slice %arg2[%add3A_296, %dma_start3A_311] : memref<8192x1024xf32, #tpu.memory_space<hbm>> -> memref<16x1024xf32, #tpu.memory_space<hbm>>
    tpu.enqueue_dma source(%dma_start3A_312 : memref<16x1024xf32, #tpu.memory_space<hbm>>) target(%dma_start3A_310 : memref<16x1024xf32, #tpu.memory_space<vmem>>) target_semaphore(%dma_start3A_306 : memref<!tpu.dma_semaphore, #tpu.memory_space<semaphore_mem>>)
    %dma_wait3A_313 = arith.constant 4 : i32
    %dma_wait3A_314 = arith.constant 4 : i32
    %dma_wait3A_315 = arith.constant 0 : i32
    %dma_wait3A_316 = arith.constant 0 : i32
    %dma_wait3A_317 = tpu.memref_slice %arg4[%dma_wait3A_313, %dma_wait3A_315, %dma_wait3A_316] : memref<6x16x1024xf32, #tpu.memory_space<vmem>> -> memref<1x16x1024xf32, #tpu.memory_space<vmem>>
    %dma_wait3A_318 = tpu.memref_squeeze %dma_wait3A_317 : memref<1x16x1024xf32, #tpu.memory_space<vmem>> -> memref<16x1024xf32, #tpu.memory_space<vmem>>
    %dma_wait3A_319 = arith.constant 0 : i32
    %dma_wait3A_320 = tpu.memref_slice %arg2[%add3A_108, %dma_wait3A_319] : memref<8192x1024xf32, #tpu.memory_space<hbm>> -> memref<16x1024xf32, #tpu.memory_space<hbm>>
    %dma_wait3A_321 = tpu.memref_slice %arg5[%dma_wait3A_314] : memref<6x!tpu.dma_semaphore, #tpu.memory_space<semaphore_mem>> -> memref<1x!tpu.dma_semaphore, #tpu.memory_space<semaphore_mem>>
    %dma_wait3A_322 = tpu.memref_squeeze %dma_wait3A_321 : memref<1x!tpu.dma_semaphore, #tpu.memory_space<semaphore_mem>> -> memref<!tpu.dma_semaphore, #tpu.memory_space<semaphore_mem>>
    %dma_wait3A_323 = arith.constant 0 : i32
    %dma_wait3A_324 = arith.constant 0 : i32
    %dma_wait3A_325 = tpu.memref_slice %arg4[%dma_wait3A_313, %dma_wait3A_323, %dma_wait3A_324] : memref<6x16x1024xf32, #tpu.memory_space<vmem>> -> memref<1x16x1024xf32, #tpu.memory_space<vmem>>
    %dma_wait3A_326 = tpu.memref_squeeze %dma_wait3A_325 : memref<1x16x1024xf32, #tpu.memory_space<vmem>> -> memref<16x1024xf32, #tpu.memory_space<vmem>>
    %dma_wait3A_327 = arith.constant 0 : i32
    %dma_wait3A_328 = tpu.memref_slice %arg2[%add3A_108, %dma_wait3A_327] : memref<8192x1024xf32, #tpu.memory_space<hbm>> -> memref<16x1024xf32, #tpu.memory_space<hbm>>
    tpu.wait_dma2 semaphore(%dma_wait3A_322 : memref<!tpu.dma_semaphore, #tpu.memory_space<semaphore_mem>>) src(%dma_wait3A_328 : memref<16x1024xf32, #tpu.memory_space<hbm>>) dst(%dma_wait3A_326 : memref<16x1024xf32, #tpu.memory_space<vmem>>)
    %add3A_329 = arith.constant 64 : i32
    %add3A_330 = arith.addi %mul3A_2, %add3A_329 : i32
    %dma_start3A_331 = arith.constant 4 : i32
    %dma_start3A_332 = arith.constant 4 : i32
    %dma_start3A_333 = arith.constant 0 : i32
    %dma_start3A_334 = arith.constant 0 : i32
    %dma_start3A_335 = tpu.memref_slice %arg4[%dma_start3A_331, %dma_start3A_333, %dma_start3A_334] : memref<6x16x1024xf32, #tpu.memory_space<vmem>> -> memref<1x16x1024xf32, #tpu.memory_space<vmem>>
    %dma_start3A_336 = tpu.memref_squeeze %dma_start3A_335 : memref<1x16x1024xf32, #tpu.memory_space<vmem>> -> memref<16x1024xf32, #tpu.memory_space<vmem>>
    %dma_start3A_337 = arith.constant 0 : i32
    %dma_start3A_338 = tpu.memref_slice %arg3[%add3A_330, %dma_start3A_337] : memref<8192x1024xf32, #tpu.memory_space<hbm>> -> memref<16x1024xf32, #tpu.memory_space<hbm>>
    %dma_start3A_339 = tpu.memref_slice %arg6[%dma_start3A_332] : memref<6x!tpu.dma_semaphore, #tpu.memory_space<semaphore_mem>> -> memref<1x!tpu.dma_semaphore, #tpu.memory_space<semaphore_mem>>
    %dma_start3A_340 = tpu.memref_squeeze %dma_start3A_339 : memref<1x!tpu.dma_semaphore, #tpu.memory_space<semaphore_mem>> -> memref<!tpu.dma_semaphore, #tpu.memory_space<semaphore_mem>>
    %dma_start3A_341 = arith.constant 0 : i32
    %dma_start3A_342 = tpu.memref_slice %arg3[%add3A_330, %dma_start3A_341] : memref<8192x1024xf32, #tpu.memory_space<hbm>> -> memref<16x1024xf32, #tpu.memory_space<hbm>>
    %dma_start3A_343 = arith.constant 0 : i32
    %dma_start3A_344 = arith.constant 0 : i32
    %dma_start3A_345 = tpu.memref_slice %arg4[%dma_start3A_331, %dma_start3A_343, %dma_start3A_344] : memref<6x16x1024xf32, #tpu.memory_space<vmem>> -> memref<1x16x1024xf32, #tpu.memory_space<vmem>>
    %dma_start3A_346 = tpu.memref_squeeze %dma_start3A_345 : memref<1x16x1024xf32, #tpu.memory_space<vmem>> -> memref<16x1024xf32, #tpu.memory_space<vmem>>
    tpu.enqueue_dma source(%dma_start3A_346 : memref<16x1024xf32, #tpu.memory_space<vmem>>) target(%dma_start3A_342 : memref<16x1024xf32, #tpu.memory_space<hbm>>) target_semaphore(%dma_start3A_340 : memref<!tpu.dma_semaphore, #tpu.memory_space<semaphore_mem>>)
    %dma_wait3A_347 = arith.constant 2 : i32
    %dma_wait3A_348 = arith.constant 2 : i32
    %dma_wait3A_349 = arith.constant 0 : i32
    %dma_wait3A_350 = arith.constant 0 : i32
    %dma_wait3A_351 = tpu.memref_slice %arg4[%dma_wait3A_347, %dma_wait3A_349, %dma_wait3A_350] : memref<6x16x1024xf32, #tpu.memory_space<vmem>> -> memref<1x16x1024xf32, #tpu.memory_space<vmem>>
    %dma_wait3A_352 = tpu.memref_squeeze %dma_wait3A_351 : memref<1x16x1024xf32, #tpu.memory_space<vmem>> -> memref<16x1024xf32, #tpu.memory_space<vmem>>
    %dma_wait3A_353 = arith.constant 0 : i32
    %dma_wait3A_354 = tpu.memref_slice %arg3[%add3A_194, %dma_wait3A_353] : memref<8192x1024xf32, #tpu.memory_space<hbm>> -> memref<16x1024xf32, #tpu.memory_space<hbm>>
    %dma_wait3A_355 = tpu.memref_slice %arg6[%dma_wait3A_348] : memref<6x!tpu.dma_semaphore, #tpu.memory_space<semaphore_mem>> -> memref<1x!tpu.dma_semaphore, #tpu.memory_space<semaphore_mem>>
    %dma_wait3A_356 = tpu.memref_squeeze %dma_wait3A_355 : memref<1x!tpu.dma_semaphore, #tpu.memory_space<semaphore_mem>> -> memref<!tpu.dma_semaphore, #tpu.memory_space<semaphore_mem>>
    %dma_wait3A_357 = arith.constant 0 : i32
    %dma_wait3A_358 = tpu.memref_slice %arg3[%add3A_194, %dma_wait3A_357] : memref<8192x1024xf32, #tpu.memory_space<hbm>> -> memref<16x1024xf32, #tpu.memory_space<hbm>>
    %dma_wait3A_359 = arith.constant 0 : i32
    %dma_wait3A_360 = arith.constant 0 : i32
    %dma_wait3A_361 = tpu.memref_slice %arg4[%dma_wait3A_347, %dma_wait3A_359, %dma_wait3A_360] : memref<6x16x1024xf32, #tpu.memory_space<vmem>> -> memref<1x16x1024xf32, #tpu.memory_space<vmem>>
    %dma_wait3A_362 = tpu.memref_squeeze %dma_wait3A_361 : memref<1x16x1024xf32, #tpu.memory_space<vmem>> -> memref<16x1024xf32, #tpu.memory_space<vmem>>
    tpu.wait_dma2 semaphore(%dma_wait3A_356 : memref<!tpu.dma_semaphore, #tpu.memory_space<semaphore_mem>>) src(%dma_wait3A_362 : memref<16x1024xf32, #tpu.memory_space<vmem>>) dst(%dma_wait3A_358 : memref<16x1024xf32, #tpu.memory_space<hbm>>)
    %add3A_363 = arith.constant 128 : i32
    %add3A_364 = arith.addi %mul3A_2, %add3A_363 : i32
    %dma_start3A_365 = arith.constant 2 : i32
    %dma_start3A_366 = arith.constant 2 : i32
    %dma_start3A_367 = arith.constant 0 : i32
    %dma_start3A_368 = arith.constant 0 : i32
    %dma_start3A_369 = tpu.memref_slice %arg4[%dma_start3A_365, %dma_start3A_367, %dma_start3A_368] : memref<6x16x1024xf32, #tpu.memory_space<vmem>> -> memref<1x16x1024xf32, #tpu.memory_space<vmem>>
    %dma_start3A_370 = tpu.memref_squeeze %dma_start3A_369 : memref<1x16x1024xf32, #tpu.memory_space<vmem>> -> memref<16x1024xf32, #tpu.memory_space<vmem>>
    %dma_start3A_371 = arith.constant 0 : i32
    %dma_start3A_372 = tpu.memref_slice %arg2[%add3A_364, %dma_start3A_371] : memref<8192x1024xf32, #tpu.memory_space<hbm>> -> memref<16x1024xf32, #tpu.memory_space<hbm>>
    %dma_start3A_373 = tpu.memref_slice %arg5[%dma_start3A_366] : memref<6x!tpu.dma_semaphore, #tpu.memory_space<semaphore_mem>> -> memref<1x!tpu.dma_semaphore, #tpu.memory_space<semaphore_mem>>
    %dma_start3A_374 = tpu.memref_squeeze %dma_start3A_373 : memref<1x!tpu.dma_semaphore, #tpu.memory_space<semaphore_mem>> -> memref<!tpu.dma_semaphore, #tpu.memory_space<semaphore_mem>>
    %dma_start3A_375 = arith.constant 0 : i32
    %dma_start3A_376 = arith.constant 0 : i32
    %dma_start3A_377 = tpu.memref_slice %arg4[%dma_start3A_365, %dma_start3A_375, %dma_start3A_376] : memref<6x16x1024xf32, #tpu.memory_space<vmem>> -> memref<1x16x1024xf32, #tpu.memory_space<vmem>>
    %dma_start3A_378 = tpu.memref_squeeze %dma_start3A_377 : memref<1x16x1024xf32, #tpu.memory_space<vmem>> -> memref<16x1024xf32, #tpu.memory_space<vmem>>
    %dma_start3A_379 = arith.constant 0 : i32
    %dma_start3A_380 = tpu.memref_slice %arg2[%add3A_364, %dma_start3A_379] : memref<8192x1024xf32, #tpu.memory_space<hbm>> -> memref<16x1024xf32, #tpu.memory_space<hbm>>
    tpu.enqueue_dma source(%dma_start3A_380 : memref<16x1024xf32, #tpu.memory_space<hbm>>) target(%dma_start3A_378 : memref<16x1024xf32, #tpu.memory_space<vmem>>) target_semaphore(%dma_start3A_374 : memref<!tpu.dma_semaphore, #tpu.memory_space<semaphore_mem>>)
    %dma_wait3A_381 = arith.constant 5 : i32
    %dma_wait3A_382 = arith.constant 5 : i32
    %dma_wait3A_383 = arith.constant 0 : i32
    %dma_wait3A_384 = arith.constant 0 : i32
    %dma_wait3A_385 = tpu.memref_slice %arg4[%dma_wait3A_381, %dma_wait3A_383, %dma_wait3A_384] : memref<6x16x1024xf32, #tpu.memory_space<vmem>> -> memref<1x16x1024xf32, #tpu.memory_space<vmem>>
    %dma_wait3A_386 = tpu.memref_squeeze %dma_wait3A_385 : memref<1x16x1024xf32, #tpu.memory_space<vmem>> -> memref<16x1024xf32, #tpu.memory_space<vmem>>
    %dma_wait3A_387 = arith.constant 0 : i32
    %dma_wait3A_388 = tpu.memref_slice %arg2[%add3A_160, %dma_wait3A_387] : memref<8192x1024xf32, #tpu.memory_space<hbm>> -> memref<16x1024xf32, #tpu.memory_space<hbm>>
    %dma_wait3A_389 = tpu.memref_slice %arg5[%dma_wait3A_382] : memref<6x!tpu.dma_semaphore, #tpu.memory_space<semaphore_mem>> -> memref<1x!tpu.dma_semaphore, #tpu.memory_space<semaphore_mem>>
    %dma_wait3A_390 = tpu.memref_squeeze %dma_wait3A_389 : memref<1x!tpu.dma_semaphore, #tpu.memory_space<semaphore_mem>> -> memref<!tpu.dma_semaphore, #tpu.memory_space<semaphore_mem>>
    %dma_wait3A_391 = arith.constant 0 : i32
    %dma_wait3A_392 = arith.constant 0 : i32
    %dma_wait3A_393 = tpu.memref_slice %arg4[%dma_wait3A_381, %dma_wait3A_391, %dma_wait3A_392] : memref<6x16x1024xf32, #tpu.memory_space<vmem>> -> memref<1x16x1024xf32, #tpu.memory_space<vmem>>
    %dma_wait3A_394 = tpu.memref_squeeze %dma_wait3A_393 : memref<1x16x1024xf32, #tpu.memory_space<vmem>> -> memref<16x1024xf32, #tpu.memory_space<vmem>>
    %dma_wait3A_395 = arith.constant 0 : i32
    %dma_wait3A_396 = tpu.memref_slice %arg2[%add3A_160, %dma_wait3A_395] : memref<8192x1024xf32, #tpu.memory_space<hbm>> -> memref<16x1024xf32, #tpu.memory_space<hbm>>
    tpu.wait_dma2 semaphore(%dma_wait3A_390 : memref<!tpu.dma_semaphore, #tpu.memory_space<semaphore_mem>>) src(%dma_wait3A_396 : memref<16x1024xf32, #tpu.memory_space<hbm>>) dst(%dma_wait3A_394 : memref<16x1024xf32, #tpu.memory_space<vmem>>)
    %add3A_397 = arith.constant 80 : i32
    %add3A_398 = arith.addi %mul3A_2, %add3A_397 : i32
    %dma_start3A_399 = arith.constant 5 : i32
    %dma_start3A_400 = arith.constant 5 : i32
    %dma_start3A_401 = arith.constant 0 : i32
    %dma_start3A_402 = arith.constant 0 : i32
    %dma_start3A_403 = tpu.memref_slice %arg4[%dma_start3A_399, %dma_start3A_401, %dma_start3A_402] : memref<6x16x1024xf32, #tpu.memory_space<vmem>> -> memref<1x16x1024xf32, #tpu.memory_space<vmem>>
    %dma_start3A_404 = tpu.memref_squeeze %dma_start3A_403 : memref<1x16x1024xf32, #tpu.memory_space<vmem>> -> memref<16x1024xf32, #tpu.memory_space<vmem>>
    %dma_start3A_405 = arith.constant 0 : i32
    %dma_start3A_406 = tpu.memref_slice %arg3[%add3A_398, %dma_start3A_405] : memref<8192x1024xf32, #tpu.memory_space<hbm>> -> memref<16x1024xf32, #tpu.memory_space<hbm>>
    %dma_start3A_407 = tpu.memref_slice %arg6[%dma_start3A_400] : memref<6x!tpu.dma_semaphore, #tpu.memory_space<semaphore_mem>> -> memref<1x!tpu.dma_semaphore, #tpu.memory_space<semaphore_mem>>
    %dma_start3A_408 = tpu.memref_squeeze %dma_start3A_407 : memref<1x!tpu.dma_semaphore, #tpu.memory_space<semaphore_mem>> -> memref<!tpu.dma_semaphore, #tpu.memory_space<semaphore_mem>>
    %dma_start3A_409 = arith.constant 0 : i32
    %dma_start3A_410 = tpu.memref_slice %arg3[%add3A_398, %dma_start3A_409] : memref<8192x1024xf32, #tpu.memory_space<hbm>> -> memref<16x1024xf32, #tpu.memory_space<hbm>>
    %dma_start3A_411 = arith.constant 0 : i32
    %dma_start3A_412 = arith.constant 0 : i32
    %dma_start3A_413 = tpu.memref_slice %arg4[%dma_start3A_399, %dma_start3A_411, %dma_start3A_412] : memref<6x16x1024xf32, #tpu.memory_space<vmem>> -> memref<1x16x1024xf32, #tpu.memory_space<vmem>>
    %dma_start3A_414 = tpu.memref_squeeze %dma_start3A_413 : memref<1x16x1024xf32, #tpu.memory_space<vmem>> -> memref<16x1024xf32, #tpu.memory_space<vmem>>
    tpu.enqueue_dma source(%dma_start3A_414 : memref<16x1024xf32, #tpu.memory_space<vmem>>) target(%dma_start3A_410 : memref<16x1024xf32, #tpu.memory_space<hbm>>) target_semaphore(%dma_start3A_408 : memref<!tpu.dma_semaphore, #tpu.memory_space<semaphore_mem>>)
    %dma_wait3A_415 = arith.constant 3 : i32
    %dma_wait3A_416 = arith.constant 3 : i32
    %dma_wait3A_417 = arith.constant 0 : i32
    %dma_wait3A_418 = arith.constant 0 : i32
    %dma_wait3A_419 = tpu.memref_slice %arg4[%dma_wait3A_415, %dma_wait3A_417, %dma_wait3A_418] : memref<6x16x1024xf32, #tpu.memory_space<vmem>> -> memref<1x16x1024xf32, #tpu.memory_space<vmem>>
    %dma_wait3A_420 = tpu.memref_squeeze %dma_wait3A_419 : memref<1x16x1024xf32, #tpu.memory_space<vmem>> -> memref<16x1024xf32, #tpu.memory_space<vmem>>
    %dma_wait3A_421 = arith.constant 0 : i32
    %dma_wait3A_422 = tpu.memref_slice %arg3[%add3A_262, %dma_wait3A_421] : memref<8192x1024xf32, #tpu.memory_space<hbm>> -> memref<16x1024xf32, #tpu.memory_space<hbm>>
    %dma_wait3A_423 = tpu.memref_slice %arg6[%dma_wait3A_416] : memref<6x!tpu.dma_semaphore, #tpu.memory_space<semaphore_mem>> -> memref<1x!tpu.dma_semaphore, #tpu.memory_space<semaphore_mem>>
    %dma_wait3A_424 = tpu.memref_squeeze %dma_wait3A_423 : memref<1x!tpu.dma_semaphore, #tpu.memory_space<semaphore_mem>> -> memref<!tpu.dma_semaphore, #tpu.memory_space<semaphore_mem>>
    %dma_wait3A_425 = arith.constant 0 : i32
    %dma_wait3A_426 = tpu.memref_slice %arg3[%add3A_262, %dma_wait3A_425] : memref<8192x1024xf32, #tpu.memory_space<hbm>> -> memref<16x1024xf32, #tpu.memory_space<hbm>>
    %dma_wait3A_427 = arith.constant 0 : i32
    %dma_wait3A_428 = arith.constant 0 : i32
    %dma_wait3A_429 = tpu.memref_slice %arg4[%dma_wait3A_415, %dma_wait3A_427, %dma_wait3A_428] : memref<6x16x1024xf32, #tpu.memory_space<vmem>> -> memref<1x16x1024xf32, #tpu.memory_space<vmem>>
    %dma_wait3A_430 = tpu.memref_squeeze %dma_wait3A_429 : memref<1x16x1024xf32, #tpu.memory_space<vmem>> -> memref<16x1024xf32, #tpu.memory_space<vmem>>
    tpu.wait_dma2 semaphore(%dma_wait3A_424 : memref<!tpu.dma_semaphore, #tpu.memory_space<semaphore_mem>>) src(%dma_wait3A_430 : memref<16x1024xf32, #tpu.memory_space<vmem>>) dst(%dma_wait3A_426 : memref<16x1024xf32, #tpu.memory_space<hbm>>)
    %add3A_431 = arith.constant 144 : i32
    %add3A_432 = arith.addi %mul3A_2, %add3A_431 : i32
    %dma_start3A_433 = arith.constant 3 : i32
    %dma_start3A_434 = arith.constant 3 : i32
    %dma_start3A_435 = arith.constant 0 : i32
    %dma_start3A_436 = arith.constant 0 : i32
    %dma_start3A_437 = tpu.memref_slice %arg4[%dma_start3A_433, %dma_start3A_435, %dma_start3A_436] : memref<6x16x1024xf32, #tpu.memory_space<vmem>> -> memref<1x16x1024xf32, #tpu.memory_space<vmem>>
    %dma_start3A_438 = tpu.memref_squeeze %dma_start3A_437 : memref<1x16x1024xf32, #tpu.memory_space<vmem>> -> memref<16x1024xf32, #tpu.memory_space<vmem>>
    %dma_start3A_439 = arith.constant 0 : i32
    %dma_start3A_440 = tpu.memref_slice %arg2[%add3A_432, %dma_start3A_439] : memref<8192x1024xf32, #tpu.memory_space<hbm>> -> memref<16x1024xf32, #tpu.memory_space<hbm>>
    %dma_start3A_441 = tpu.memref_slice %arg5[%dma_start3A_434] : memref<6x!tpu.dma_semaphore, #tpu.memory_space<semaphore_mem>> -> memref<1x!tpu.dma_semaphore, #tpu.memory_space<semaphore_mem>>
    %dma_start3A_442 = tpu.memref_squeeze %dma_start3A_441 : memref<1x!tpu.dma_semaphore, #tpu.memory_space<semaphore_mem>> -> memref<!tpu.dma_semaphore, #tpu.memory_space<semaphore_mem>>
    %dma_start3A_443 = arith.constant 0 : i32
    %dma_start3A_444 = arith.constant 0 : i32
    %dma_start3A_445 = tpu.memref_slice %arg4[%dma_start3A_433, %dma_start3A_443, %dma_start3A_444] : memref<6x16x1024xf32, #tpu.memory_space<vmem>> -> memref<1x16x1024xf32, #tpu.memory_space<vmem>>
    %dma_start3A_446 = tpu.memref_squeeze %dma_start3A_445 : memref<1x16x1024xf32, #tpu.memory_space<vmem>> -> memref<16x1024xf32, #tpu.memory_space<vmem>>
    %dma_start3A_447 = arith.constant 0 : i32
    %dma_start3A_448 = tpu.memref_slice %arg2[%add3A_432, %dma_start3A_447] : memref<8192x1024xf32, #tpu.memory_space<hbm>> -> memref<16x1024xf32, #tpu.memory_space<hbm>>
    tpu.enqueue_dma source(%dma_start3A_448 : memref<16x1024xf32, #tpu.memory_space<hbm>>) target(%dma_start3A_446 : memref<16x1024xf32, #tpu.memory_space<vmem>>) target_semaphore(%dma_start3A_442 : memref<!tpu.dma_semaphore, #tpu.memory_space<semaphore_mem>>)
    %dma_wait3A_449 = arith.constant 0 : i32
    %dma_wait3A_450 = arith.constant 0 : i32
    %dma_wait3A_451 = arith.constant 0 : i32
    %dma_wait3A_452 = arith.constant 0 : i32
    %dma_wait3A_453 = tpu.memref_slice %arg4[%dma_wait3A_449, %dma_wait3A_451, %dma_wait3A_452] : memref<6x16x1024xf32, #tpu.memory_space<vmem>> -> memref<1x16x1024xf32, #tpu.memory_space<vmem>>
    %dma_wait3A_454 = tpu.memref_squeeze %dma_wait3A_453 : memref<1x16x1024xf32, #tpu.memory_space<vmem>> -> memref<16x1024xf32, #tpu.memory_space<vmem>>
    %dma_wait3A_455 = arith.constant 0 : i32
    %dma_wait3A_456 = tpu.memref_slice %arg2[%add3A_228, %dma_wait3A_455] : memref<8192x1024xf32, #tpu.memory_space<hbm>> -> memref<16x1024xf32, #tpu.memory_space<hbm>>
    %dma_wait3A_457 = tpu.memref_slice %arg5[%dma_wait3A_450] : memref<6x!tpu.dma_semaphore, #tpu.memory_space<semaphore_mem>> -> memref<1x!tpu.dma_semaphore, #tpu.memory_space<semaphore_mem>>
    %dma_wait3A_458 = tpu.memref_squeeze %dma_wait3A_457 : memref<1x!tpu.dma_semaphore, #tpu.memory_space<semaphore_mem>> -> memref<!tpu.dma_semaphore, #tpu.memory_space<semaphore_mem>>
    %dma_wait3A_459 = arith.constant 0 : i32
    %dma_wait3A_460 = arith.constant 0 : i32
    %dma_wait3A_461 = tpu.memref_slice %arg4[%dma_wait3A_449, %dma_wait3A_459, %dma_wait3A_460] : memref<6x16x1024xf32, #tpu.memory_space<vmem>> -> memref<1x16x1024xf32, #tpu.memory_space<vmem>>
    %dma_wait3A_462 = tpu.memref_squeeze %dma_wait3A_461 : memref<1x16x1024xf32, #tpu.memory_space<vmem>> -> memref<16x1024xf32, #tpu.memory_space<vmem>>
    %dma_wait3A_463 = arith.constant 0 : i32
    %dma_wait3A_464 = tpu.memref_slice %arg2[%add3A_228, %dma_wait3A_463] : memref<8192x1024xf32, #tpu.memory_space<hbm>> -> memref<16x1024xf32, #tpu.memory_space<hbm>>
    tpu.wait_dma2 semaphore(%dma_wait3A_458 : memref<!tpu.dma_semaphore, #tpu.memory_space<semaphore_mem>>) src(%dma_wait3A_464 : memref<16x1024xf32, #tpu.memory_space<hbm>>) dst(%dma_wait3A_462 : memref<16x1024xf32, #tpu.memory_space<vmem>>)
    %add3A_465 = arith.constant 96 : i32
    %add3A_466 = arith.addi %mul3A_2, %add3A_465 : i32
    %dma_start3A_467 = arith.constant 0 : i32
    %dma_start3A_468 = arith.constant 0 : i32
    %dma_start3A_469 = arith.constant 0 : i32
    %dma_start3A_470 = arith.constant 0 : i32
    %dma_start3A_471 = tpu.memref_slice %arg4[%dma_start3A_467, %dma_start3A_469, %dma_start3A_470] : memref<6x16x1024xf32, #tpu.memory_space<vmem>> -> memref<1x16x1024xf32, #tpu.memory_space<vmem>>
    %dma_start3A_472 = tpu.memref_squeeze %dma_start3A_471 : memref<1x16x1024xf32, #tpu.memory_space<vmem>> -> memref<16x1024xf32, #tpu.memory_space<vmem>>
    %dma_start3A_473 = arith.constant 0 : i32
    %dma_start3A_474 = tpu.memref_slice %arg3[%add3A_466, %dma_start3A_473] : memref<8192x1024xf32, #tpu.memory_space<hbm>> -> memref<16x1024xf32, #tpu.memory_space<hbm>>
    %dma_start3A_475 = tpu.memref_slice %arg6[%dma_start3A_468] : memref<6x!tpu.dma_semaphore, #tpu.memory_space<semaphore_mem>> -> memref<1x!tpu.dma_semaphore, #tpu.memory_space<semaphore_mem>>
    %dma_start3A_476 = tpu.memref_squeeze %dma_start3A_475 : memref<1x!tpu.dma_semaphore, #tpu.memory_space<semaphore_mem>> -> memref<!tpu.dma_semaphore, #tpu.memory_space<semaphore_mem>>
    %dma_start3A_477 = arith.constant 0 : i32
    %dma_start3A_478 = tpu.memref_slice %arg3[%add3A_466, %dma_start3A_477] : memref<8192x1024xf32, #tpu.memory_space<hbm>> -> memref<16x1024xf32, #tpu.memory_space<hbm>>
    %dma_start3A_479 = arith.constant 0 : i32
    %dma_start3A_480 = arith.constant 0 : i32
    %dma_start3A_481 = tpu.memref_slice %arg4[%dma_start3A_467, %dma_start3A_479, %dma_start3A_480] : memref<6x16x1024xf32, #tpu.memory_space<vmem>> -> memref<1x16x1024xf32, #tpu.memory_space<vmem>>
    %dma_start3A_482 = tpu.memref_squeeze %dma_start3A_481 : memref<1x16x1024xf32, #tpu.memory_space<vmem>> -> memref<16x1024xf32, #tpu.memory_space<vmem>>
    tpu.enqueue_dma source(%dma_start3A_482 : memref<16x1024xf32, #tpu.memory_space<vmem>>) target(%dma_start3A_478 : memref<16x1024xf32, #tpu.memory_space<hbm>>) target_semaphore(%dma_start3A_476 : memref<!tpu.dma_semaphore, #tpu.memory_space<semaphore_mem>>)
    %dma_wait3A_483 = arith.constant 4 : i32
    %dma_wait3A_484 = arith.constant 4 : i32
    %dma_wait3A_485 = arith.constant 0 : i32
    %dma_wait3A_486 = arith.constant 0 : i32
    %dma_wait3A_487 = tpu.memref_slice %arg4[%dma_wait3A_483, %dma_wait3A_485, %dma_wait3A_486] : memref<6x16x1024xf32, #tpu.memory_space<vmem>> -> memref<1x16x1024xf32, #tpu.memory_space<vmem>>
    %dma_wait3A_488 = tpu.memref_squeeze %dma_wait3A_487 : memref<1x16x1024xf32, #tpu.memory_space<vmem>> -> memref<16x1024xf32, #tpu.memory_space<vmem>>
    %dma_wait3A_489 = arith.constant 0 : i32
    %dma_wait3A_490 = tpu.memref_slice %arg3[%add3A_330, %dma_wait3A_489] : memref<8192x1024xf32, #tpu.memory_space<hbm>> -> memref<16x1024xf32, #tpu.memory_space<hbm>>
    %dma_wait3A_491 = tpu.memref_slice %arg6[%dma_wait3A_484] : memref<6x!tpu.dma_semaphore, #tpu.memory_space<semaphore_mem>> -> memref<1x!tpu.dma_semaphore, #tpu.memory_space<semaphore_mem>>
    %dma_wait3A_492 = tpu.memref_squeeze %dma_wait3A_491 : memref<1x!tpu.dma_semaphore, #tpu.memory_space<semaphore_mem>> -> memref<!tpu.dma_semaphore, #tpu.memory_space<semaphore_mem>>
    %dma_wait3A_493 = arith.constant 0 : i32
    %dma_wait3A_494 = tpu.memref_slice %arg3[%add3A_330, %dma_wait3A_493] : memref<8192x1024xf32, #tpu.memory_space<hbm>> -> memref<16x1024xf32, #tpu.memory_space<hbm>>
    %dma_wait3A_495 = arith.constant 0 : i32
    %dma_wait3A_496 = arith.constant 0 : i32
    %dma_wait3A_497 = tpu.memref_slice %arg4[%dma_wait3A_483, %dma_wait3A_495, %dma_wait3A_496] : memref<6x16x1024xf32, #tpu.memory_space<vmem>> -> memref<1x16x1024xf32, #tpu.memory_space<vmem>>
    %dma_wait3A_498 = tpu.memref_squeeze %dma_wait3A_497 : memref<1x16x1024xf32, #tpu.memory_space<vmem>> -> memref<16x1024xf32, #tpu.memory_space<vmem>>
    tpu.wait_dma2 semaphore(%dma_wait3A_492 : memref<!tpu.dma_semaphore, #tpu.memory_space<semaphore_mem>>) src(%dma_wait3A_498 : memref<16x1024xf32, #tpu.memory_space<vmem>>) dst(%dma_wait3A_494 : memref<16x1024xf32, #tpu.memory_space<hbm>>)
    %add3A_499 = arith.constant 160 : i32
    %add3A_500 = arith.addi %mul3A_2, %add3A_499 : i32
    %dma_start3A_501 = arith.constant 4 : i32
    %dma_start3A_502 = arith.constant 4 : i32
    %dma_start3A_503 = arith.constant 0 : i32
    %dma_start3A_504 = arith.constant 0 : i32
    %dma_start3A_505 = tpu.memref_slice %arg4[%dma_start3A_501, %dma_start3A_503, %dma_start3A_504] : memref<6x16x1024xf32, #tpu.memory_space<vmem>> -> memref<1x16x1024xf32, #tpu.memory_space<vmem>>
    %dma_start3A_506 = tpu.memref_squeeze %dma_start3A_505 : memref<1x16x1024xf32, #tpu.memory_space<vmem>> -> memref<16x1024xf32, #tpu.memory_space<vmem>>
    %dma_start3A_507 = arith.constant 0 : i32
    %dma_start3A_508 = tpu.memref_slice %arg2[%add3A_500, %dma_start3A_507] : memref<8192x1024xf32, #tpu.memory_space<hbm>> -> memref<16x1024xf32, #tpu.memory_space<hbm>>
    %dma_start3A_509 = tpu.memref_slice %arg5[%dma_start3A_502] : memref<6x!tpu.dma_semaphore, #tpu.memory_space<semaphore_mem>> -> memref<1x!tpu.dma_semaphore, #tpu.memory_space<semaphore_mem>>
    %dma_start3A_510 = tpu.memref_squeeze %dma_start3A_509 : memref<1x!tpu.dma_semaphore, #tpu.memory_space<semaphore_mem>> -> memref<!tpu.dma_semaphore, #tpu.memory_space<semaphore_mem>>
    %dma_start3A_511 = arith.constant 0 : i32
    %dma_start3A_512 = arith.constant 0 : i32
    %dma_start3A_513 = tpu.memref_slice %arg4[%dma_start3A_501, %dma_start3A_511, %dma_start3A_512] : memref<6x16x1024xf32, #tpu.memory_space<vmem>> -> memref<1x16x1024xf32, #tpu.memory_space<vmem>>
    %dma_start3A_514 = tpu.memref_squeeze %dma_start3A_513 : memref<1x16x1024xf32, #tpu.memory_space<vmem>> -> memref<16x1024xf32, #tpu.memory_space<vmem>>
    %dma_start3A_515 = arith.constant 0 : i32
    %dma_start3A_516 = tpu.memref_slice %arg2[%add3A_500, %dma_start3A_515] : memref<8192x1024xf32, #tpu.memory_space<hbm>> -> memref<16x1024xf32, #tpu.memory_space<hbm>>
    tpu.enqueue_dma source(%dma_start3A_516 : memref<16x1024xf32, #tpu.memory_space<hbm>>) target(%dma_start3A_514 : memref<16x1024xf32, #tpu.memory_space<vmem>>) target_semaphore(%dma_start3A_510 : memref<!tpu.dma_semaphore, #tpu.memory_space<semaphore_mem>>)
    %dma_wait3A_517 = arith.constant 1 : i32
    %dma_wait3A_518 = arith.constant 1 : i32
    %dma_wait3A_519 = arith.constant 0 : i32
    %dma_wait3A_520 = arith.constant 0 : i32
    %dma_wait3A_521 = tpu.memref_slice %arg4[%dma_wait3A_517, %dma_wait3A_519, %dma_wait3A_520] : memref<6x16x1024xf32, #tpu.memory_space<vmem>> -> memref<1x16x1024xf32, #tpu.memory_space<vmem>>
    %dma_wait3A_522 = tpu.memref_squeeze %dma_wait3A_521 : memref<1x16x1024xf32, #tpu.memory_space<vmem>> -> memref<16x1024xf32, #tpu.memory_space<vmem>>
    %dma_wait3A_523 = arith.constant 0 : i32
    %dma_wait3A_524 = tpu.memref_slice %arg2[%add3A_296, %dma_wait3A_523] : memref<8192x1024xf32, #tpu.memory_space<hbm>> -> memref<16x1024xf32, #tpu.memory_space<hbm>>
    %dma_wait3A_525 = tpu.memref_slice %arg5[%dma_wait3A_518] : memref<6x!tpu.dma_semaphore, #tpu.memory_space<semaphore_mem>> -> memref<1x!tpu.dma_semaphore, #tpu.memory_space<semaphore_mem>>
    %dma_wait3A_526 = tpu.memref_squeeze %dma_wait3A_525 : memref<1x!tpu.dma_semaphore, #tpu.memory_space<semaphore_mem>> -> memref<!tpu.dma_semaphore, #tpu.memory_space<semaphore_mem>>
    %dma_wait3A_527 = arith.constant 0 : i32
    %dma_wait3A_528 = arith.constant 0 : i32
    %dma_wait3A_529 = tpu.memref_slice %arg4[%dma_wait3A_517, %dma_wait3A_527, %dma_wait3A_528] : memref<6x16x1024xf32, #tpu.memory_space<vmem>> -> memref<1x16x1024xf32, #tpu.memory_space<vmem>>
    %dma_wait3A_530 = tpu.memref_squeeze %dma_wait3A_529 : memref<1x16x1024xf32, #tpu.memory_space<vmem>> -> memref<16x1024xf32, #tpu.memory_space<vmem>>
    %dma_wait3A_531 = arith.constant 0 : i32
    %dma_wait3A_532 = tpu.memref_slice %arg2[%add3A_296, %dma_wait3A_531] : memref<8192x1024xf32, #tpu.memory_space<hbm>> -> memref<16x1024xf32, #tpu.memory_space<hbm>>
    tpu.wait_dma2 semaphore(%dma_wait3A_526 : memref<!tpu.dma_semaphore, #tpu.memory_space<semaphore_mem>>) src(%dma_wait3A_532 : memref<16x1024xf32, #tpu.memory_space<hbm>>) dst(%dma_wait3A_530 : memref<16x1024xf32, #tpu.memory_space<vmem>>)
    %add3A_533 = arith.constant 112 : i32
    %add3A_534 = arith.addi %mul3A_2, %add3A_533 : i32
    %dma_start3A_535 = arith.constant 1 : i32
    %dma_start3A_536 = arith.constant 1 : i32
    %dma_start3A_537 = arith.constant 0 : i32
    %dma_start3A_538 = arith.constant 0 : i32
    %dma_start3A_539 = tpu.memref_slice %arg4[%dma_start3A_535, %dma_start3A_537, %dma_start3A_538] : memref<6x16x1024xf32, #tpu.memory_space<vmem>> -> memref<1x16x1024xf32, #tpu.memory_space<vmem>>
    %dma_start3A_540 = tpu.memref_squeeze %dma_start3A_539 : memref<1x16x1024xf32, #tpu.memory_space<vmem>> -> memref<16x1024xf32, #tpu.memory_space<vmem>>
    %dma_start3A_541 = arith.constant 0 : i32
    %dma_start3A_542 = tpu.memref_slice %arg3[%add3A_534, %dma_start3A_541] : memref<8192x1024xf32, #tpu.memory_space<hbm>> -> memref<16x1024xf32, #tpu.memory_space<hbm>>
    %dma_start3A_543 = tpu.memref_slice %arg6[%dma_start3A_536] : memref<6x!tpu.dma_semaphore, #tpu.memory_space<semaphore_mem>> -> memref<1x!tpu.dma_semaphore, #tpu.memory_space<semaphore_mem>>
    %dma_start3A_544 = tpu.memref_squeeze %dma_start3A_543 : memref<1x!tpu.dma_semaphore, #tpu.memory_space<semaphore_mem>> -> memref<!tpu.dma_semaphore, #tpu.memory_space<semaphore_mem>>
    %dma_start3A_545 = arith.constant 0 : i32
    %dma_start3A_546 = tpu.memref_slice %arg3[%add3A_534, %dma_start3A_545] : memref<8192x1024xf32, #tpu.memory_space<hbm>> -> memref<16x1024xf32, #tpu.memory_space<hbm>>
    %dma_start3A_547 = arith.constant 0 : i32
    %dma_start3A_548 = arith.constant 0 : i32
    %dma_start3A_549 = tpu.memref_slice %arg4[%dma_start3A_535, %dma_start3A_547, %dma_start3A_548] : memref<6x16x1024xf32, #tpu.memory_space<vmem>> -> memref<1x16x1024xf32, #tpu.memory_space<vmem>>
    %dma_start3A_550 = tpu.memref_squeeze %dma_start3A_549 : memref<1x16x1024xf32, #tpu.memory_space<vmem>> -> memref<16x1024xf32, #tpu.memory_space<vmem>>
    tpu.enqueue_dma source(%dma_start3A_550 : memref<16x1024xf32, #tpu.memory_space<vmem>>) target(%dma_start3A_546 : memref<16x1024xf32, #tpu.memory_space<hbm>>) target_semaphore(%dma_start3A_544 : memref<!tpu.dma_semaphore, #tpu.memory_space<semaphore_mem>>)
    %dma_wait3A_551 = arith.constant 5 : i32
    %dma_wait3A_552 = arith.constant 5 : i32
    %dma_wait3A_553 = arith.constant 0 : i32
    %dma_wait3A_554 = arith.constant 0 : i32
    %dma_wait3A_555 = tpu.memref_slice %arg4[%dma_wait3A_551, %dma_wait3A_553, %dma_wait3A_554] : memref<6x16x1024xf32, #tpu.memory_space<vmem>> -> memref<1x16x1024xf32, #tpu.memory_space<vmem>>
    %dma_wait3A_556 = tpu.memref_squeeze %dma_wait3A_555 : memref<1x16x1024xf32, #tpu.memory_space<vmem>> -> memref<16x1024xf32, #tpu.memory_space<vmem>>
    %dma_wait3A_557 = arith.constant 0 : i32
    %dma_wait3A_558 = tpu.memref_slice %arg3[%add3A_398, %dma_wait3A_557] : memref<8192x1024xf32, #tpu.memory_space<hbm>> -> memref<16x1024xf32, #tpu.memory_space<hbm>>
    %dma_wait3A_559 = tpu.memref_slice %arg6[%dma_wait3A_552] : memref<6x!tpu.dma_semaphore, #tpu.memory_space<semaphore_mem>> -> memref<1x!tpu.dma_semaphore, #tpu.memory_space<semaphore_mem>>
    %dma_wait3A_560 = tpu.memref_squeeze %dma_wait3A_559 : memref<1x!tpu.dma_semaphore, #tpu.memory_space<semaphore_mem>> -> memref<!tpu.dma_semaphore, #tpu.memory_space<semaphore_mem>>
    %dma_wait3A_561 = arith.constant 0 : i32
    %dma_wait3A_562 = tpu.memref_slice %arg3[%add3A_398, %dma_wait3A_561] : memref<8192x1024xf32, #tpu.memory_space<hbm>> -> memref<16x1024xf32, #tpu.memory_space<hbm>>
    %dma_wait3A_563 = arith.constant 0 : i32
    %dma_wait3A_564 = arith.constant 0 : i32
    %dma_wait3A_565 = tpu.memref_slice %arg4[%dma_wait3A_551, %dma_wait3A_563, %dma_wait3A_564] : memref<6x16x1024xf32, #tpu.memory_space<vmem>> -> memref<1x16x1024xf32, #tpu.memory_space<vmem>>
    %dma_wait3A_566 = tpu.memref_squeeze %dma_wait3A_565 : memref<1x16x1024xf32, #tpu.memory_space<vmem>> -> memref<16x1024xf32, #tpu.memory_space<vmem>>
    tpu.wait_dma2 semaphore(%dma_wait3A_560 : memref<!tpu.dma_semaphore, #tpu.memory_space<semaphore_mem>>) src(%dma_wait3A_566 : memref<16x1024xf32, #tpu.memory_space<vmem>>) dst(%dma_wait3A_562 : memref<16x1024xf32, #tpu.memory_space<hbm>>)
    %add3A_567 = arith.constant 176 : i32
    %add3A_568 = arith.addi %mul3A_2, %add3A_567 : i32
    %dma_start3A_569 = arith.constant 5 : i32
    %dma_start3A_570 = arith.constant 5 : i32
    %dma_start3A_571 = arith.constant 0 : i32
    %dma_start3A_572 = arith.constant 0 : i32
    %dma_start3A_573 = tpu.memref_slice %arg4[%dma_start3A_569, %dma_start3A_571, %dma_start3A_572] : memref<6x16x1024xf32, #tpu.memory_space<vmem>> -> memref<1x16x1024xf32, #tpu.memory_space<vmem>>
    %dma_start3A_574 = tpu.memref_squeeze %dma_start3A_573 : memref<1x16x1024xf32, #tpu.memory_space<vmem>> -> memref<16x1024xf32, #tpu.memory_space<vmem>>
    %dma_start3A_575 = arith.constant 0 : i32
    %dma_start3A_576 = tpu.memref_slice %arg2[%add3A_568, %dma_start3A_575] : memref<8192x1024xf32, #tpu.memory_space<hbm>> -> memref<16x1024xf32, #tpu.memory_space<hbm>>
    %dma_start3A_577 = tpu.memref_slice %arg5[%dma_start3A_570] : memref<6x!tpu.dma_semaphore, #tpu.memory_space<semaphore_mem>> -> memref<1x!tpu.dma_semaphore, #tpu.memory_space<semaphore_mem>>
    %dma_start3A_578 = tpu.memref_squeeze %dma_start3A_577 : memref<1x!tpu.dma_semaphore, #tpu.memory_space<semaphore_mem>> -> memref<!tpu.dma_semaphore, #tpu.memory_space<semaphore_mem>>
    %dma_start3A_579 = arith.constant 0 : i32
    %dma_start3A_580 = arith.constant 0 : i32
    %dma_start3A_581 = tpu.memref_slice %arg4[%dma_start3A_569, %dma_start3A_579, %dma_start3A_580] : memref<6x16x1024xf32, #tpu.memory_space<vmem>> -> memref<1x16x1024xf32, #tpu.memory_space<vmem>>
    %dma_start3A_582 = tpu.memref_squeeze %dma_start3A_581 : memref<1x16x1024xf32, #tpu.memory_space<vmem>> -> memref<16x1024xf32, #tpu.memory_space<vmem>>
    %dma_start3A_583 = arith.constant 0 : i32
    %dma_start3A_584 = tpu.memref_slice %arg2[%add3A_568, %dma_start3A_583] : memref<8192x1024xf32, #tpu.memory_space<hbm>> -> memref<16x1024xf32, #tpu.memory_space<hbm>>
    tpu.enqueue_dma source(%dma_start3A_584 : memref<16x1024xf32, #tpu.memory_space<hbm>>) target(%dma_start3A_582 : memref<16x1024xf32, #tpu.memory_space<vmem>>) target_semaphore(%dma_start3A_578 : memref<!tpu.dma_semaphore, #tpu.memory_space<semaphore_mem>>)
    %dma_wait3A_585 = arith.constant 2 : i32
    %dma_wait3A_586 = arith.constant 2 : i32
    %dma_wait3A_587 = arith.constant 0 : i32
    %dma_wait3A_588 = arith.constant 0 : i32
    %dma_wait3A_589 = tpu.memref_slice %arg4[%dma_wait3A_585, %dma_wait3A_587, %dma_wait3A_588] : memref<6x16x1024xf32, #tpu.memory_space<vmem>> -> memref<1x16x1024xf32, #tpu.memory_space<vmem>>
    %dma_wait3A_590 = tpu.memref_squeeze %dma_wait3A_589 : memref<1x16x1024xf32, #tpu.memory_space<vmem>> -> memref<16x1024xf32, #tpu.memory_space<vmem>>
    %dma_wait3A_591 = arith.constant 0 : i32
    %dma_wait3A_592 = tpu.memref_slice %arg2[%add3A_364, %dma_wait3A_591] : memref<8192x1024xf32, #tpu.memory_space<hbm>> -> memref<16x1024xf32, #tpu.memory_space<hbm>>
    %dma_wait3A_593 = tpu.memref_slice %arg5[%dma_wait3A_586] : memref<6x!tpu.dma_semaphore, #tpu.memory_space<semaphore_mem>> -> memref<1x!tpu.dma_semaphore, #tpu.memory_space<semaphore_mem>>
    %dma_wait3A_594 = tpu.memref_squeeze %dma_wait3A_593 : memref<1x!tpu.dma_semaphore, #tpu.memory_space<semaphore_mem>> -> memref<!tpu.dma_semaphore, #tpu.memory_space<semaphore_mem>>
    %dma_wait3A_595 = arith.constant 0 : i32
    %dma_wait3A_596 = arith.constant 0 : i32
    %dma_wait3A_597 = tpu.memref_slice %arg4[%dma_wait3A_585, %dma_wait3A_595, %dma_wait3A_596] : memref<6x16x1024xf32, #tpu.memory_space<vmem>> -> memref<1x16x1024xf32, #tpu.memory_space<vmem>>
    %dma_wait3A_598 = tpu.memref_squeeze %dma_wait3A_597 : memref<1x16x1024xf32, #tpu.memory_space<vmem>> -> memref<16x1024xf32, #tpu.memory_space<vmem>>
    %dma_wait3A_599 = arith.constant 0 : i32
    %dma_wait3A_600 = tpu.memref_slice %arg2[%add3A_364, %dma_wait3A_599] : memref<8192x1024xf32, #tpu.memory_space<hbm>> -> memref<16x1024xf32, #tpu.memory_space<hbm>>
    tpu.wait_dma2 semaphore(%dma_wait3A_594 : memref<!tpu.dma_semaphore, #tpu.memory_space<semaphore_mem>>) src(%dma_wait3A_600 : memref<16x1024xf32, #tpu.memory_space<hbm>>) dst(%dma_wait3A_598 : memref<16x1024xf32, #tpu.memory_space<vmem>>)
    %add3A_601 = arith.constant 128 : i32
    %add3A_602 = arith.addi %mul3A_2, %add3A_601 : i32
    %dma_start3A_603 = arith.constant 2 : i32
    %dma_start3A_604 = arith.constant 2 : i32
    %dma_start3A_605 = arith.constant 0 : i32
    %dma_start3A_606 = arith.constant 0 : i32
    %dma_start3A_607 = tpu.memref_slice %arg4[%dma_start3A_603, %dma_start3A_605, %dma_start3A_606] : memref<6x16x1024xf32, #tpu.memory_space<vmem>> -> memref<1x16x1024xf32, #tpu.memory_space<vmem>>
    %dma_start3A_608 = tpu.memref_squeeze %dma_start3A_607 : memref<1x16x1024xf32, #tpu.memory_space<vmem>> -> memref<16x1024xf32, #tpu.memory_space<vmem>>
    %dma_start3A_609 = arith.constant 0 : i32
    %dma_start3A_610 = tpu.memref_slice %arg3[%add3A_602, %dma_start3A_609] : memref<8192x1024xf32, #tpu.memory_space<hbm>> -> memref<16x1024xf32, #tpu.memory_space<hbm>>
    %dma_start3A_611 = tpu.memref_slice %arg6[%dma_start3A_604] : memref<6x!tpu.dma_semaphore, #tpu.memory_space<semaphore_mem>> -> memref<1x!tpu.dma_semaphore, #tpu.memory_space<semaphore_mem>>
    %dma_start3A_612 = tpu.memref_squeeze %dma_start3A_611 : memref<1x!tpu.dma_semaphore, #tpu.memory_space<semaphore_mem>> -> memref<!tpu.dma_semaphore, #tpu.memory_space<semaphore_mem>>
    %dma_start3A_613 = arith.constant 0 : i32
    %dma_start3A_614 = tpu.memref_slice %arg3[%add3A_602, %dma_start3A_613] : memref<8192x1024xf32, #tpu.memory_space<hbm>> -> memref<16x1024xf32, #tpu.memory_space<hbm>>
    %dma_start3A_615 = arith.constant 0 : i32
    %dma_start3A_616 = arith.constant 0 : i32
    %dma_start3A_617 = tpu.memref_slice %arg4[%dma_start3A_603, %dma_start3A_615, %dma_start3A_616] : memref<6x16x1024xf32, #tpu.memory_space<vmem>> -> memref<1x16x1024xf32, #tpu.memory_space<vmem>>
    %dma_start3A_618 = tpu.memref_squeeze %dma_start3A_617 : memref<1x16x1024xf32, #tpu.memory_space<vmem>> -> memref<16x1024xf32, #tpu.memory_space<vmem>>
    tpu.enqueue_dma source(%dma_start3A_618 : memref<16x1024xf32, #tpu.memory_space<vmem>>) target(%dma_start3A_614 : memref<16x1024xf32, #tpu.memory_space<hbm>>) target_semaphore(%dma_start3A_612 : memref<!tpu.dma_semaphore, #tpu.memory_space<semaphore_mem>>)
    %dma_wait3A_619 = arith.constant 0 : i32
    %dma_wait3A_620 = arith.constant 0 : i32
    %dma_wait3A_621 = arith.constant 0 : i32
    %dma_wait3A_622 = arith.constant 0 : i32
    %dma_wait3A_623 = tpu.memref_slice %arg4[%dma_wait3A_619, %dma_wait3A_621, %dma_wait3A_622] : memref<6x16x1024xf32, #tpu.memory_space<vmem>> -> memref<1x16x1024xf32, #tpu.memory_space<vmem>>
    %dma_wait3A_624 = tpu.memref_squeeze %dma_wait3A_623 : memref<1x16x1024xf32, #tpu.memory_space<vmem>> -> memref<16x1024xf32, #tpu.memory_space<vmem>>
    %dma_wait3A_625 = arith.constant 0 : i32
    %dma_wait3A_626 = tpu.memref_slice %arg3[%add3A_466, %dma_wait3A_625] : memref<8192x1024xf32, #tpu.memory_space<hbm>> -> memref<16x1024xf32, #tpu.memory_space<hbm>>
    %dma_wait3A_627 = tpu.memref_slice %arg6[%dma_wait3A_620] : memref<6x!tpu.dma_semaphore, #tpu.memory_space<semaphore_mem>> -> memref<1x!tpu.dma_semaphore, #tpu.memory_space<semaphore_mem>>
    %dma_wait3A_628 = tpu.memref_squeeze %dma_wait3A_627 : memref<1x!tpu.dma_semaphore, #tpu.memory_space<semaphore_mem>> -> memref<!tpu.dma_semaphore, #tpu.memory_space<semaphore_mem>>
    %dma_wait3A_629 = arith.constant 0 : i32
    %dma_wait3A_630 = tpu.memref_slice %arg3[%add3A_466, %dma_wait3A_629] : memref<8192x1024xf32, #tpu.memory_space<hbm>> -> memref<16x1024xf32, #tpu.memory_space<hbm>>
    %dma_wait3A_631 = arith.constant 0 : i32
    %dma_wait3A_632 = arith.constant 0 : i32
    %dma_wait3A_633 = tpu.memref_slice %arg4[%dma_wait3A_619, %dma_wait3A_631, %dma_wait3A_632] : memref<6x16x1024xf32, #tpu.memory_space<vmem>> -> memref<1x16x1024xf32, #tpu.memory_space<vmem>>
    %dma_wait3A_634 = tpu.memref_squeeze %dma_wait3A_633 : memref<1x16x1024xf32, #tpu.memory_space<vmem>> -> memref<16x1024xf32, #tpu.memory_space<vmem>>
    tpu.wait_dma2 semaphore(%dma_wait3A_628 : memref<!tpu.dma_semaphore, #tpu.memory_space<semaphore_mem>>) src(%dma_wait3A_634 : memref<16x1024xf32, #tpu.memory_space<vmem>>) dst(%dma_wait3A_630 : memref<16x1024xf32, #tpu.memory_space<hbm>>)
    %add3A_635 = arith.constant 192 : i32
    %add3A_636 = arith.addi %mul3A_2, %add3A_635 : i32
    %dma_start3A_637 = arith.constant 0 : i32
    %dma_start3A_638 = arith.constant 0 : i32
    %dma_start3A_639 = arith.constant 0 : i32
    %dma_start3A_640 = arith.constant 0 : i32
    %dma_start3A_641 = tpu.memref_slice %arg4[%dma_start3A_637, %dma_start3A_639, %dma_start3A_640] : memref<6x16x1024xf32, #tpu.memory_space<vmem>> -> memref<1x16x1024xf32, #tpu.memory_space<vmem>>
    %dma_start3A_642 = tpu.memref_squeeze %dma_start3A_641 : memref<1x16x1024xf32, #tpu.memory_space<vmem>> -> memref<16x1024xf32, #tpu.memory_space<vmem>>
    %dma_start3A_643 = arith.constant 0 : i32
    %dma_start3A_644 = tpu.memref_slice %arg2[%add3A_636, %dma_start3A_643] : memref<8192x1024xf32, #tpu.memory_space<hbm>> -> memref<16x1024xf32, #tpu.memory_space<hbm>>
    %dma_start3A_645 = tpu.memref_slice %arg5[%dma_start3A_638] : memref<6x!tpu.dma_semaphore, #tpu.memory_space<semaphore_mem>> -> memref<1x!tpu.dma_semaphore, #tpu.memory_space<semaphore_mem>>
    %dma_start3A_646 = tpu.memref_squeeze %dma_start3A_645 : memref<1x!tpu.dma_semaphore, #tpu.memory_space<semaphore_mem>> -> memref<!tpu.dma_semaphore, #tpu.memory_space<semaphore_mem>>
    %dma_start3A_647 = arith.constant 0 : i32
    %dma_start3A_648 = arith.constant 0 : i32
    %dma_start3A_649 = tpu.memref_slice %arg4[%dma_start3A_637, %dma_start3A_647, %dma_start3A_648] : memref<6x16x1024xf32, #tpu.memory_space<vmem>> -> memref<1x16x1024xf32, #tpu.memory_space<vmem>>
    %dma_start3A_650 = tpu.memref_squeeze %dma_start3A_649 : memref<1x16x1024xf32, #tpu.memory_space<vmem>> -> memref<16x1024xf32, #tpu.memory_space<vmem>>
    %dma_start3A_651 = arith.constant 0 : i32
    %dma_start3A_652 = tpu.memref_slice %arg2[%add3A_636, %dma_start3A_651] : memref<8192x1024xf32, #tpu.memory_space<hbm>> -> memref<16x1024xf32, #tpu.memory_space<hbm>>
    tpu.enqueue_dma source(%dma_start3A_652 : memref<16x1024xf32, #tpu.memory_space<hbm>>) target(%dma_start3A_650 : memref<16x1024xf32, #tpu.memory_space<vmem>>) target_semaphore(%dma_start3A_646 : memref<!tpu.dma_semaphore, #tpu.memory_space<semaphore_mem>>)
    %dma_wait3A_653 = arith.constant 3 : i32
    %dma_wait3A_654 = arith.constant 3 : i32
    %dma_wait3A_655 = arith.constant 0 : i32
    %dma_wait3A_656 = arith.constant 0 : i32
    %dma_wait3A_657 = tpu.memref_slice %arg4[%dma_wait3A_653, %dma_wait3A_655, %dma_wait3A_656] : memref<6x16x1024xf32, #tpu.memory_space<vmem>> -> memref<1x16x1024xf32, #tpu.memory_space<vmem>>
    %dma_wait3A_658 = tpu.memref_squeeze %dma_wait3A_657 : memref<1x16x1024xf32, #tpu.memory_space<vmem>> -> memref<16x1024xf32, #tpu.memory_space<vmem>>
    %dma_wait3A_659 = arith.constant 0 : i32
    %dma_wait3A_660 = tpu.memref_slice %arg2[%add3A_432, %dma_wait3A_659] : memref<8192x1024xf32, #tpu.memory_space<hbm>> -> memref<16x1024xf32, #tpu.memory_space<hbm>>
    %dma_wait3A_661 = tpu.memref_slice %arg5[%dma_wait3A_654] : memref<6x!tpu.dma_semaphore, #tpu.memory_space<semaphore_mem>> -> memref<1x!tpu.dma_semaphore, #tpu.memory_space<semaphore_mem>>
    %dma_wait3A_662 = tpu.memref_squeeze %dma_wait3A_661 : memref<1x!tpu.dma_semaphore, #tpu.memory_space<semaphore_mem>> -> memref<!tpu.dma_semaphore, #tpu.memory_space<semaphore_mem>>
    %dma_wait3A_663 = arith.constant 0 : i32
    %dma_wait3A_664 = arith.constant 0 : i32
    %dma_wait3A_665 = tpu.memref_slice %arg4[%dma_wait3A_653, %dma_wait3A_663, %dma_wait3A_664] : memref<6x16x1024xf32, #tpu.memory_space<vmem>> -> memref<1x16x1024xf32, #tpu.memory_space<vmem>>
    %dma_wait3A_666 = tpu.memref_squeeze %dma_wait3A_665 : memref<1x16x1024xf32, #tpu.memory_space<vmem>> -> memref<16x1024xf32, #tpu.memory_space<vmem>>
    %dma_wait3A_667 = arith.constant 0 : i32
    %dma_wait3A_668 = tpu.memref_slice %arg2[%add3A_432, %dma_wait3A_667] : memref<8192x1024xf32, #tpu.memory_space<hbm>> -> memref<16x1024xf32, #tpu.memory_space<hbm>>
    tpu.wait_dma2 semaphore(%dma_wait3A_662 : memref<!tpu.dma_semaphore, #tpu.memory_space<semaphore_mem>>) src(%dma_wait3A_668 : memref<16x1024xf32, #tpu.memory_space<hbm>>) dst(%dma_wait3A_666 : memref<16x1024xf32, #tpu.memory_space<vmem>>)
    %add3A_669 = arith.constant 144 : i32
    %add3A_670 = arith.addi %mul3A_2, %add3A_669 : i32
    %dma_start3A_671 = arith.constant 3 : i32
    %dma_start3A_672 = arith.constant 3 : i32
    %dma_start3A_673 = arith.constant 0 : i32
    %dma_start3A_674 = arith.constant 0 : i32
    %dma_start3A_675 = tpu.memref_slice %arg4[%dma_start3A_671, %dma_start3A_673, %dma_start3A_674] : memref<6x16x1024xf32, #tpu.memory_space<vmem>> -> memref<1x16x1024xf32, #tpu.memory_space<vmem>>
    %dma_start3A_676 = tpu.memref_squeeze %dma_start3A_675 : memref<1x16x1024xf32, #tpu.memory_space<vmem>> -> memref<16x1024xf32, #tpu.memory_space<vmem>>
    %dma_start3A_677 = arith.constant 0 : i32
    %dma_start3A_678 = tpu.memref_slice %arg3[%add3A_670, %dma_start3A_677] : memref<8192x1024xf32, #tpu.memory_space<hbm>> -> memref<16x1024xf32, #tpu.memory_space<hbm>>
    %dma_start3A_679 = tpu.memref_slice %arg6[%dma_start3A_672] : memref<6x!tpu.dma_semaphore, #tpu.memory_space<semaphore_mem>> -> memref<1x!tpu.dma_semaphore, #tpu.memory_space<semaphore_mem>>
    %dma_start3A_680 = tpu.memref_squeeze %dma_start3A_679 : memref<1x!tpu.dma_semaphore, #tpu.memory_space<semaphore_mem>> -> memref<!tpu.dma_semaphore, #tpu.memory_space<semaphore_mem>>
    %dma_start3A_681 = arith.constant 0 : i32
    %dma_start3A_682 = tpu.memref_slice %arg3[%add3A_670, %dma_start3A_681] : memref<8192x1024xf32, #tpu.memory_space<hbm>> -> memref<16x1024xf32, #tpu.memory_space<hbm>>
    %dma_start3A_683 = arith.constant 0 : i32
    %dma_start3A_684 = arith.constant 0 : i32
    %dma_start3A_685 = tpu.memref_slice %arg4[%dma_start3A_671, %dma_start3A_683, %dma_start3A_684] : memref<6x16x1024xf32, #tpu.memory_space<vmem>> -> memref<1x16x1024xf32, #tpu.memory_space<vmem>>
    %dma_start3A_686 = tpu.memref_squeeze %dma_start3A_685 : memref<1x16x1024xf32, #tpu.memory_space<vmem>> -> memref<16x1024xf32, #tpu.memory_space<vmem>>
    tpu.enqueue_dma source(%dma_start3A_686 : memref<16x1024xf32, #tpu.memory_space<vmem>>) target(%dma_start3A_682 : memref<16x1024xf32, #tpu.memory_space<hbm>>) target_semaphore(%dma_start3A_680 : memref<!tpu.dma_semaphore, #tpu.memory_space<semaphore_mem>>)
    %dma_wait3A_687 = arith.constant 1 : i32
    %dma_wait3A_688 = arith.constant 1 : i32
    %dma_wait3A_689 = arith.constant 0 : i32
    %dma_wait3A_690 = arith.constant 0 : i32
    %dma_wait3A_691 = tpu.memref_slice %arg4[%dma_wait3A_687, %dma_wait3A_689, %dma_wait3A_690] : memref<6x16x1024xf32, #tpu.memory_space<vmem>> -> memref<1x16x1024xf32, #tpu.memory_space<vmem>>
    %dma_wait3A_692 = tpu.memref_squeeze %dma_wait3A_691 : memref<1x16x1024xf32, #tpu.memory_space<vmem>> -> memref<16x1024xf32, #tpu.memory_space<vmem>>
    %dma_wait3A_693 = arith.constant 0 : i32
    %dma_wait3A_694 = tpu.memref_slice %arg3[%add3A_534, %dma_wait3A_693] : memref<8192x1024xf32, #tpu.memory_space<hbm>> -> memref<16x1024xf32, #tpu.memory_space<hbm>>
    %dma_wait3A_695 = tpu.memref_slice %arg6[%dma_wait3A_688] : memref<6x!tpu.dma_semaphore, #tpu.memory_space<semaphore_mem>> -> memref<1x!tpu.dma_semaphore, #tpu.memory_space<semaphore_mem>>
    %dma_wait3A_696 = tpu.memref_squeeze %dma_wait3A_695 : memref<1x!tpu.dma_semaphore, #tpu.memory_space<semaphore_mem>> -> memref<!tpu.dma_semaphore, #tpu.memory_space<semaphore_mem>>
    %dma_wait3A_697 = arith.constant 0 : i32
    %dma_wait3A_698 = tpu.memref_slice %arg3[%add3A_534, %dma_wait3A_697] : memref<8192x1024xf32, #tpu.memory_space<hbm>> -> memref<16x1024xf32, #tpu.memory_space<hbm>>
    %dma_wait3A_699 = arith.constant 0 : i32
    %dma_wait3A_700 = arith.constant 0 : i32
    %dma_wait3A_701 = tpu.memref_slice %arg4[%dma_wait3A_687, %dma_wait3A_699, %dma_wait3A_700] : memref<6x16x1024xf32, #tpu.memory_space<vmem>> -> memref<1x16x1024xf32, #tpu.memory_space<vmem>>
    %dma_wait3A_702 = tpu.memref_squeeze %dma_wait3A_701 : memref<1x16x1024xf32, #tpu.memory_space<vmem>> -> memref<16x1024xf32, #tpu.memory_space<vmem>>
    tpu.wait_dma2 semaphore(%dma_wait3A_696 : memref<!tpu.dma_semaphore, #tpu.memory_space<semaphore_mem>>) src(%dma_wait3A_702 : memref<16x1024xf32, #tpu.memory_space<vmem>>) dst(%dma_wait3A_698 : memref<16x1024xf32, #tpu.memory_space<hbm>>)
    %add3A_703 = arith.constant 208 : i32
    %add3A_704 = arith.addi %mul3A_2, %add3A_703 : i32
    %dma_start3A_705 = arith.constant 1 : i32
    %dma_start3A_706 = arith.constant 1 : i32
    %dma_start3A_707 = arith.constant 0 : i32
    %dma_start3A_708 = arith.constant 0 : i32
    %dma_start3A_709 = tpu.memref_slice %arg4[%dma_start3A_705, %dma_start3A_707, %dma_start3A_708] : memref<6x16x1024xf32, #tpu.memory_space<vmem>> -> memref<1x16x1024xf32, #tpu.memory_space<vmem>>
    %dma_start3A_710 = tpu.memref_squeeze %dma_start3A_709 : memref<1x16x1024xf32, #tpu.memory_space<vmem>> -> memref<16x1024xf32, #tpu.memory_space<vmem>>
    %dma_start3A_711 = arith.constant 0 : i32
    %dma_start3A_712 = tpu.memref_slice %arg2[%add3A_704, %dma_start3A_711] : memref<8192x1024xf32, #tpu.memory_space<hbm>> -> memref<16x1024xf32, #tpu.memory_space<hbm>>
    %dma_start3A_713 = tpu.memref_slice %arg5[%dma_start3A_706] : memref<6x!tpu.dma_semaphore, #tpu.memory_space<semaphore_mem>> -> memref<1x!tpu.dma_semaphore, #tpu.memory_space<semaphore_mem>>
    %dma_start3A_714 = tpu.memref_squeeze %dma_start3A_713 : memref<1x!tpu.dma_semaphore, #tpu.memory_space<semaphore_mem>> -> memref<!tpu.dma_semaphore, #tpu.memory_space<semaphore_mem>>
    %dma_start3A_715 = arith.constant 0 : i32
    %dma_start3A_716 = arith.constant 0 : i32
    %dma_start3A_717 = tpu.memref_slice %arg4[%dma_start3A_705, %dma_start3A_715, %dma_start3A_716] : memref<6x16x1024xf32, #tpu.memory_space<vmem>> -> memref<1x16x1024xf32, #tpu.memory_space<vmem>>
    %dma_start3A_718 = tpu.memref_squeeze %dma_start3A_717 : memref<1x16x1024xf32, #tpu.memory_space<vmem>> -> memref<16x1024xf32, #tpu.memory_space<vmem>>
    %dma_start3A_719 = arith.constant 0 : i32
    %dma_start3A_720 = tpu.memref_slice %arg2[%add3A_704, %dma_start3A_719] : memref<8192x1024xf32, #tpu.memory_space<hbm>> -> memref<16x1024xf32, #tpu.memory_space<hbm>>
    tpu.enqueue_dma source(%dma_start3A_720 : memref<16x1024xf32, #tpu.memory_space<hbm>>) target(%dma_start3A_718 : memref<16x1024xf32, #tpu.memory_space<vmem>>) target_semaphore(%dma_start3A_714 : memref<!tpu.dma_semaphore, #tpu.memory_space<semaphore_mem>>)
    %dma_wait3A_721 = arith.constant 4 : i32
    %dma_wait3A_722 = arith.constant 4 : i32
    %dma_wait3A_723 = arith.constant 0 : i32
    %dma_wait3A_724 = arith.constant 0 : i32
    %dma_wait3A_725 = tpu.memref_slice %arg4[%dma_wait3A_721, %dma_wait3A_723, %dma_wait3A_724] : memref<6x16x1024xf32, #tpu.memory_space<vmem>> -> memref<1x16x1024xf32, #tpu.memory_space<vmem>>
    %dma_wait3A_726 = tpu.memref_squeeze %dma_wait3A_725 : memref<1x16x1024xf32, #tpu.memory_space<vmem>> -> memref<16x1024xf32, #tpu.memory_space<vmem>>
    %dma_wait3A_727 = arith.constant 0 : i32
    %dma_wait3A_728 = tpu.memref_slice %arg2[%add3A_500, %dma_wait3A_727] : memref<8192x1024xf32, #tpu.memory_space<hbm>> -> memref<16x1024xf32, #tpu.memory_space<hbm>>
    %dma_wait3A_729 = tpu.memref_slice %arg5[%dma_wait3A_722] : memref<6x!tpu.dma_semaphore, #tpu.memory_space<semaphore_mem>> -> memref<1x!tpu.dma_semaphore, #tpu.memory_space<semaphore_mem>>
    %dma_wait3A_730 = tpu.memref_squeeze %dma_wait3A_729 : memref<1x!tpu.dma_semaphore, #tpu.memory_space<semaphore_mem>> -> memref<!tpu.dma_semaphore, #tpu.memory_space<semaphore_mem>>
    %dma_wait3A_731 = arith.constant 0 : i32
    %dma_wait3A_732 = arith.constant 0 : i32
    %dma_wait3A_733 = tpu.memref_slice %arg4[%dma_wait3A_721, %dma_wait3A_731, %dma_wait3A_732] : memref<6x16x1024xf32, #tpu.memory_space<vmem>> -> memref<1x16x1024xf32, #tpu.memory_space<vmem>>
    %dma_wait3A_734 = tpu.memref_squeeze %dma_wait3A_733 : memref<1x16x1024xf32, #tpu.memory_space<vmem>> -> memref<16x1024xf32, #tpu.memory_space<vmem>>
    %dma_wait3A_735 = arith.constant 0 : i32
    %dma_wait3A_736 = tpu.memref_slice %arg2[%add3A_500, %dma_wait3A_735] : memref<8192x1024xf32, #tpu.memory_space<hbm>> -> memref<16x1024xf32, #tpu.memory_space<hbm>>
    tpu.wait_dma2 semaphore(%dma_wait3A_730 : memref<!tpu.dma_semaphore, #tpu.memory_space<semaphore_mem>>) src(%dma_wait3A_736 : memref<16x1024xf32, #tpu.memory_space<hbm>>) dst(%dma_wait3A_734 : memref<16x1024xf32, #tpu.memory_space<vmem>>)
    %add3A_737 = arith.constant 160 : i32
    %add3A_738 = arith.addi %mul3A_2, %add3A_737 : i32
    %dma_start3A_739 = arith.constant 4 : i32
    %dma_start3A_740 = arith.constant 4 : i32
    %dma_start3A_741 = arith.constant 0 : i32
    %dma_start3A_742 = arith.constant 0 : i32
    %dma_start3A_743 = tpu.memref_slice %arg4[%dma_start3A_739, %dma_start3A_741, %dma_start3A_742] : memref<6x16x1024xf32, #tpu.memory_space<vmem>> -> memref<1x16x1024xf32, #tpu.memory_space<vmem>>
    %dma_start3A_744 = tpu.memref_squeeze %dma_start3A_743 : memref<1x16x1024xf32, #tpu.memory_space<vmem>> -> memref<16x1024xf32, #tpu.memory_space<vmem>>
    %dma_start3A_745 = arith.constant 0 : i32
    %dma_start3A_746 = tpu.memref_slice %arg3[%add3A_738, %dma_start3A_745] : memref<8192x1024xf32, #tpu.memory_space<hbm>> -> memref<16x1024xf32, #tpu.memory_space<hbm>>
    %dma_start3A_747 = tpu.memref_slice %arg6[%dma_start3A_740] : memref<6x!tpu.dma_semaphore, #tpu.memory_space<semaphore_mem>> -> memref<1x!tpu.dma_semaphore, #tpu.memory_space<semaphore_mem>>
    %dma_start3A_748 = tpu.memref_squeeze %dma_start3A_747 : memref<1x!tpu.dma_semaphore, #tpu.memory_space<semaphore_mem>> -> memref<!tpu.dma_semaphore, #tpu.memory_space<semaphore_mem>>
    %dma_start3A_749 = arith.constant 0 : i32
    %dma_start3A_750 = tpu.memref_slice %arg3[%add3A_738, %dma_start3A_749] : memref<8192x1024xf32, #tpu.memory_space<hbm>> -> memref<16x1024xf32, #tpu.memory_space<hbm>>
    %dma_start3A_751 = arith.constant 0 : i32
    %dma_start3A_752 = arith.constant 0 : i32
    %dma_start3A_753 = tpu.memref_slice %arg4[%dma_start3A_739, %dma_start3A_751, %dma_start3A_752] : memref<6x16x1024xf32, #tpu.memory_space<vmem>> -> memref<1x16x1024xf32, #tpu.memory_space<vmem>>
    %dma_start3A_754 = tpu.memref_squeeze %dma_start3A_753 : memref<1x16x1024xf32, #tpu.memory_space<vmem>> -> memref<16x1024xf32, #tpu.memory_space<vmem>>
    tpu.enqueue_dma source(%dma_start3A_754 : memref<16x1024xf32, #tpu.memory_space<vmem>>) target(%dma_start3A_750 : memref<16x1024xf32, #tpu.memory_space<hbm>>) target_semaphore(%dma_start3A_748 : memref<!tpu.dma_semaphore, #tpu.memory_space<semaphore_mem>>)
    %dma_wait3A_755 = arith.constant 2 : i32
    %dma_wait3A_756 = arith.constant 2 : i32
    %dma_wait3A_757 = arith.constant 0 : i32
    %dma_wait3A_758 = arith.constant 0 : i32
    %dma_wait3A_759 = tpu.memref_slice %arg4[%dma_wait3A_755, %dma_wait3A_757, %dma_wait3A_758] : memref<6x16x1024xf32, #tpu.memory_space<vmem>> -> memref<1x16x1024xf32, #tpu.memory_space<vmem>>
    %dma_wait3A_760 = tpu.memref_squeeze %dma_wait3A_759 : memref<1x16x1024xf32, #tpu.memory_space<vmem>> -> memref<16x1024xf32, #tpu.memory_space<vmem>>
    %dma_wait3A_761 = arith.constant 0 : i32
    %dma_wait3A_762 = tpu.memref_slice %arg3[%add3A_602, %dma_wait3A_761] : memref<8192x1024xf32, #tpu.memory_space<hbm>> -> memref<16x1024xf32, #tpu.memory_space<hbm>>
    %dma_wait3A_763 = tpu.memref_slice %arg6[%dma_wait3A_756] : memref<6x!tpu.dma_semaphore, #tpu.memory_space<semaphore_mem>> -> memref<1x!tpu.dma_semaphore, #tpu.memory_space<semaphore_mem>>
    %dma_wait3A_764 = tpu.memref_squeeze %dma_wait3A_763 : memref<1x!tpu.dma_semaphore, #tpu.memory_space<semaphore_mem>> -> memref<!tpu.dma_semaphore, #tpu.memory_space<semaphore_mem>>
    %dma_wait3A_765 = arith.constant 0 : i32
    %dma_wait3A_766 = tpu.memref_slice %arg3[%add3A_602, %dma_wait3A_765] : memref<8192x1024xf32, #tpu.memory_space<hbm>> -> memref<16x1024xf32, #tpu.memory_space<hbm>>
    %dma_wait3A_767 = arith.constant 0 : i32
    %dma_wait3A_768 = arith.constant 0 : i32
    %dma_wait3A_769 = tpu.memref_slice %arg4[%dma_wait3A_755, %dma_wait3A_767, %dma_wait3A_768] : memref<6x16x1024xf32, #tpu.memory_space<vmem>> -> memref<1x16x1024xf32, #tpu.memory_space<vmem>>
    %dma_wait3A_770 = tpu.memref_squeeze %dma_wait3A_769 : memref<1x16x1024xf32, #tpu.memory_space<vmem>> -> memref<16x1024xf32, #tpu.memory_space<vmem>>
    tpu.wait_dma2 semaphore(%dma_wait3A_764 : memref<!tpu.dma_semaphore, #tpu.memory_space<semaphore_mem>>) src(%dma_wait3A_770 : memref<16x1024xf32, #tpu.memory_space<vmem>>) dst(%dma_wait3A_766 : memref<16x1024xf32, #tpu.memory_space<hbm>>)
    %add3A_771 = arith.constant 224 : i32
    %add3A_772 = arith.addi %mul3A_2, %add3A_771 : i32
    %dma_start3A_773 = arith.constant 2 : i32
    %dma_start3A_774 = arith.constant 2 : i32
    %dma_start3A_775 = arith.constant 0 : i32
    %dma_start3A_776 = arith.constant 0 : i32
    %dma_start3A_777 = tpu.memref_slice %arg4[%dma_start3A_773, %dma_start3A_775, %dma_start3A_776] : memref<6x16x1024xf32, #tpu.memory_space<vmem>> -> memref<1x16x1024xf32, #tpu.memory_space<vmem>>
    %dma_start3A_778 = tpu.memref_squeeze %dma_start3A_777 : memref<1x16x1024xf32, #tpu.memory_space<vmem>> -> memref<16x1024xf32, #tpu.memory_space<vmem>>
    %dma_start3A_779 = arith.constant 0 : i32
    %dma_start3A_780 = tpu.memref_slice %arg2[%add3A_772, %dma_start3A_779] : memref<8192x1024xf32, #tpu.memory_space<hbm>> -> memref<16x1024xf32, #tpu.memory_space<hbm>>
    %dma_start3A_781 = tpu.memref_slice %arg5[%dma_start3A_774] : memref<6x!tpu.dma_semaphore, #tpu.memory_space<semaphore_mem>> -> memref<1x!tpu.dma_semaphore, #tpu.memory_space<semaphore_mem>>
    %dma_start3A_782 = tpu.memref_squeeze %dma_start3A_781 : memref<1x!tpu.dma_semaphore, #tpu.memory_space<semaphore_mem>> -> memref<!tpu.dma_semaphore, #tpu.memory_space<semaphore_mem>>
    %dma_start3A_783 = arith.constant 0 : i32
    %dma_start3A_784 = arith.constant 0 : i32
    %dma_start3A_785 = tpu.memref_slice %arg4[%dma_start3A_773, %dma_start3A_783, %dma_start3A_784] : memref<6x16x1024xf32, #tpu.memory_space<vmem>> -> memref<1x16x1024xf32, #tpu.memory_space<vmem>>
    %dma_start3A_786 = tpu.memref_squeeze %dma_start3A_785 : memref<1x16x1024xf32, #tpu.memory_space<vmem>> -> memref<16x1024xf32, #tpu.memory_space<vmem>>
    %dma_start3A_787 = arith.constant 0 : i32
    %dma_start3A_788 = tpu.memref_slice %arg2[%add3A_772, %dma_start3A_787] : memref<8192x1024xf32, #tpu.memory_space<hbm>> -> memref<16x1024xf32, #tpu.memory_space<hbm>>
    tpu.enqueue_dma source(%dma_start3A_788 : memref<16x1024xf32, #tpu.memory_space<hbm>>) target(%dma_start3A_786 : memref<16x1024xf32, #tpu.memory_space<vmem>>) target_semaphore(%dma_start3A_782 : memref<!tpu.dma_semaphore, #tpu.memory_space<semaphore_mem>>)
    %dma_wait3A_789 = arith.constant 5 : i32
    %dma_wait3A_790 = arith.constant 5 : i32
    %dma_wait3A_791 = arith.constant 0 : i32
    %dma_wait3A_792 = arith.constant 0 : i32
    %dma_wait3A_793 = tpu.memref_slice %arg4[%dma_wait3A_789, %dma_wait3A_791, %dma_wait3A_792] : memref<6x16x1024xf32, #tpu.memory_space<vmem>> -> memref<1x16x1024xf32, #tpu.memory_space<vmem>>
    %dma_wait3A_794 = tpu.memref_squeeze %dma_wait3A_793 : memref<1x16x1024xf32, #tpu.memory_space<vmem>> -> memref<16x1024xf32, #tpu.memory_space<vmem>>
    %dma_wait3A_795 = arith.constant 0 : i32
    %dma_wait3A_796 = tpu.memref_slice %arg2[%add3A_568, %dma_wait3A_795] : memref<8192x1024xf32, #tpu.memory_space<hbm>> -> memref<16x1024xf32, #tpu.memory_space<hbm>>
    %dma_wait3A_797 = tpu.memref_slice %arg5[%dma_wait3A_790] : memref<6x!tpu.dma_semaphore, #tpu.memory_space<semaphore_mem>> -> memref<1x!tpu.dma_semaphore, #tpu.memory_space<semaphore_mem>>
    %dma_wait3A_798 = tpu.memref_squeeze %dma_wait3A_797 : memref<1x!tpu.dma_semaphore, #tpu.memory_space<semaphore_mem>> -> memref<!tpu.dma_semaphore, #tpu.memory_space<semaphore_mem>>
    %dma_wait3A_799 = arith.constant 0 : i32
    %dma_wait3A_800 = arith.constant 0 : i32
    %dma_wait3A_801 = tpu.memref_slice %arg4[%dma_wait3A_789, %dma_wait3A_799, %dma_wait3A_800] : memref<6x16x1024xf32, #tpu.memory_space<vmem>> -> memref<1x16x1024xf32, #tpu.memory_space<vmem>>
    %dma_wait3A_802 = tpu.memref_squeeze %dma_wait3A_801 : memref<1x16x1024xf32, #tpu.memory_space<vmem>> -> memref<16x1024xf32, #tpu.memory_space<vmem>>
    %dma_wait3A_803 = arith.constant 0 : i32
    %dma_wait3A_804 = tpu.memref_slice %arg2[%add3A_568, %dma_wait3A_803] : memref<8192x1024xf32, #tpu.memory_space<hbm>> -> memref<16x1024xf32, #tpu.memory_space<hbm>>
    tpu.wait_dma2 semaphore(%dma_wait3A_798 : memref<!tpu.dma_semaphore, #tpu.memory_space<semaphore_mem>>) src(%dma_wait3A_804 : memref<16x1024xf32, #tpu.memory_space<hbm>>) dst(%dma_wait3A_802 : memref<16x1024xf32, #tpu.memory_space<vmem>>)
    %add3A_805 = arith.constant 176 : i32
    %add3A_806 = arith.addi %mul3A_2, %add3A_805 : i32
    %dma_start3A_807 = arith.constant 5 : i32
    %dma_start3A_808 = arith.constant 5 : i32
    %dma_start3A_809 = arith.constant 0 : i32
    %dma_start3A_810 = arith.constant 0 : i32
    %dma_start3A_811 = tpu.memref_slice %arg4[%dma_start3A_807, %dma_start3A_809, %dma_start3A_810] : memref<6x16x1024xf32, #tpu.memory_space<vmem>> -> memref<1x16x1024xf32, #tpu.memory_space<vmem>>
    %dma_start3A_812 = tpu.memref_squeeze %dma_start3A_811 : memref<1x16x1024xf32, #tpu.memory_space<vmem>> -> memref<16x1024xf32, #tpu.memory_space<vmem>>
    %dma_start3A_813 = arith.constant 0 : i32
    %dma_start3A_814 = tpu.memref_slice %arg3[%add3A_806, %dma_start3A_813] : memref<8192x1024xf32, #tpu.memory_space<hbm>> -> memref<16x1024xf32, #tpu.memory_space<hbm>>
    %dma_start3A_815 = tpu.memref_slice %arg6[%dma_start3A_808] : memref<6x!tpu.dma_semaphore, #tpu.memory_space<semaphore_mem>> -> memref<1x!tpu.dma_semaphore, #tpu.memory_space<semaphore_mem>>
    %dma_start3A_816 = tpu.memref_squeeze %dma_start3A_815 : memref<1x!tpu.dma_semaphore, #tpu.memory_space<semaphore_mem>> -> memref<!tpu.dma_semaphore, #tpu.memory_space<semaphore_mem>>
    %dma_start3A_817 = arith.constant 0 : i32
    %dma_start3A_818 = tpu.memref_slice %arg3[%add3A_806, %dma_start3A_817] : memref<8192x1024xf32, #tpu.memory_space<hbm>> -> memref<16x1024xf32, #tpu.memory_space<hbm>>
    %dma_start3A_819 = arith.constant 0 : i32
    %dma_start3A_820 = arith.constant 0 : i32
    %dma_start3A_821 = tpu.memref_slice %arg4[%dma_start3A_807, %dma_start3A_819, %dma_start3A_820] : memref<6x16x1024xf32, #tpu.memory_space<vmem>> -> memref<1x16x1024xf32, #tpu.memory_space<vmem>>
    %dma_start3A_822 = tpu.memref_squeeze %dma_start3A_821 : memref<1x16x1024xf32, #tpu.memory_space<vmem>> -> memref<16x1024xf32, #tpu.memory_space<vmem>>
    tpu.enqueue_dma source(%dma_start3A_822 : memref<16x1024xf32, #tpu.memory_space<vmem>>) target(%dma_start3A_818 : memref<16x1024xf32, #tpu.memory_space<hbm>>) target_semaphore(%dma_start3A_816 : memref<!tpu.dma_semaphore, #tpu.memory_space<semaphore_mem>>)
    %dma_wait3A_823 = arith.constant 3 : i32
    %dma_wait3A_824 = arith.constant 3 : i32
    %dma_wait3A_825 = arith.constant 0 : i32
    %dma_wait3A_826 = arith.constant 0 : i32
    %dma_wait3A_827 = tpu.memref_slice %arg4[%dma_wait3A_823, %dma_wait3A_825, %dma_wait3A_826] : memref<6x16x1024xf32, #tpu.memory_space<vmem>> -> memref<1x16x1024xf32, #tpu.memory_space<vmem>>
    %dma_wait3A_828 = tpu.memref_squeeze %dma_wait3A_827 : memref<1x16x1024xf32, #tpu.memory_space<vmem>> -> memref<16x1024xf32, #tpu.memory_space<vmem>>
    %dma_wait3A_829 = arith.constant 0 : i32
    %dma_wait3A_830 = tpu.memref_slice %arg3[%add3A_670, %dma_wait3A_829] : memref<8192x1024xf32, #tpu.memory_space<hbm>> -> memref<16x1024xf32, #tpu.memory_space<hbm>>
    %dma_wait3A_831 = tpu.memref_slice %arg6[%dma_wait3A_824] : memref<6x!tpu.dma_semaphore, #tpu.memory_space<semaphore_mem>> -> memref<1x!tpu.dma_semaphore, #tpu.memory_space<semaphore_mem>>
    %dma_wait3A_832 = tpu.memref_squeeze %dma_wait3A_831 : memref<1x!tpu.dma_semaphore, #tpu.memory_space<semaphore_mem>> -> memref<!tpu.dma_semaphore, #tpu.memory_space<semaphore_mem>>
    %dma_wait3A_833 = arith.constant 0 : i32
    %dma_wait3A_834 = tpu.memref_slice %arg3[%add3A_670, %dma_wait3A_833] : memref<8192x1024xf32, #tpu.memory_space<hbm>> -> memref<16x1024xf32, #tpu.memory_space<hbm>>
    %dma_wait3A_835 = arith.constant 0 : i32
    %dma_wait3A_836 = arith.constant 0 : i32
    %dma_wait3A_837 = tpu.memref_slice %arg4[%dma_wait3A_823, %dma_wait3A_835, %dma_wait3A_836] : memref<6x16x1024xf32, #tpu.memory_space<vmem>> -> memref<1x16x1024xf32, #tpu.memory_space<vmem>>
    %dma_wait3A_838 = tpu.memref_squeeze %dma_wait3A_837 : memref<1x16x1024xf32, #tpu.memory_space<vmem>> -> memref<16x1024xf32, #tpu.memory_space<vmem>>
    tpu.wait_dma2 semaphore(%dma_wait3A_832 : memref<!tpu.dma_semaphore, #tpu.memory_space<semaphore_mem>>) src(%dma_wait3A_838 : memref<16x1024xf32, #tpu.memory_space<vmem>>) dst(%dma_wait3A_834 : memref<16x1024xf32, #tpu.memory_space<hbm>>)
    %add3A_839 = arith.constant 240 : i32
    %add3A_840 = arith.addi %mul3A_2, %add3A_839 : i32
    %dma_start3A_841 = arith.constant 3 : i32
    %dma_start3A_842 = arith.constant 3 : i32
    %dma_start3A_843 = arith.constant 0 : i32
    %dma_start3A_844 = arith.constant 0 : i32
    %dma_start3A_845 = tpu.memref_slice %arg4[%dma_start3A_841, %dma_start3A_843, %dma_start3A_844] : memref<6x16x1024xf32, #tpu.memory_space<vmem>> -> memref<1x16x1024xf32, #tpu.memory_space<vmem>>
    %dma_start3A_846 = tpu.memref_squeeze %dma_start3A_845 : memref<1x16x1024xf32, #tpu.memory_space<vmem>> -> memref<16x1024xf32, #tpu.memory_space<vmem>>
    %dma_start3A_847 = arith.constant 0 : i32
    %dma_start3A_848 = tpu.memref_slice %arg2[%add3A_840, %dma_start3A_847] : memref<8192x1024xf32, #tpu.memory_space<hbm>> -> memref<16x1024xf32, #tpu.memory_space<hbm>>
    %dma_start3A_849 = tpu.memref_slice %arg5[%dma_start3A_842] : memref<6x!tpu.dma_semaphore, #tpu.memory_space<semaphore_mem>> -> memref<1x!tpu.dma_semaphore, #tpu.memory_space<semaphore_mem>>
    %dma_start3A_850 = tpu.memref_squeeze %dma_start3A_849 : memref<1x!tpu.dma_semaphore, #tpu.memory_space<semaphore_mem>> -> memref<!tpu.dma_semaphore, #tpu.memory_space<semaphore_mem>>
    %dma_start3A_851 = arith.constant 0 : i32
    %dma_start3A_852 = arith.constant 0 : i32
    %dma_start3A_853 = tpu.memref_slice %arg4[%dma_start3A_841, %dma_start3A_851, %dma_start3A_852] : memref<6x16x1024xf32, #tpu.memory_space<vmem>> -> memref<1x16x1024xf32, #tpu.memory_space<vmem>>
    %dma_start3A_854 = tpu.memref_squeeze %dma_start3A_853 : memref<1x16x1024xf32, #tpu.memory_space<vmem>> -> memref<16x1024xf32, #tpu.memory_space<vmem>>
    %dma_start3A_855 = arith.constant 0 : i32
    %dma_start3A_856 = tpu.memref_slice %arg2[%add3A_840, %dma_start3A_855] : memref<8192x1024xf32, #tpu.memory_space<hbm>> -> memref<16x1024xf32, #tpu.memory_space<hbm>>
    tpu.enqueue_dma source(%dma_start3A_856 : memref<16x1024xf32, #tpu.memory_space<hbm>>) target(%dma_start3A_854 : memref<16x1024xf32, #tpu.memory_space<vmem>>) target_semaphore(%dma_start3A_850 : memref<!tpu.dma_semaphore, #tpu.memory_space<semaphore_mem>>)
    %dma_wait3A_857 = arith.constant 0 : i32
    %dma_wait3A_858 = arith.constant 0 : i32
    %dma_wait3A_859 = arith.constant 0 : i32
    %dma_wait3A_860 = arith.constant 0 : i32
    %dma_wait3A_861 = tpu.memref_slice %arg4[%dma_wait3A_857, %dma_wait3A_859, %dma_wait3A_860] : memref<6x16x1024xf32, #tpu.memory_space<vmem>> -> memref<1x16x1024xf32, #tpu.memory_space<vmem>>
    %dma_wait3A_862 = tpu.memref_squeeze %dma_wait3A_861 : memref<1x16x1024xf32, #tpu.memory_space<vmem>> -> memref<16x1024xf32, #tpu.memory_space<vmem>>
    %dma_wait3A_863 = arith.constant 0 : i32
    %dma_wait3A_864 = tpu.memref_slice %arg2[%add3A_636, %dma_wait3A_863] : memref<8192x1024xf32, #tpu.memory_space<hbm>> -> memref<16x1024xf32, #tpu.memory_space<hbm>>
    %dma_wait3A_865 = tpu.memref_slice %arg5[%dma_wait3A_858] : memref<6x!tpu.dma_semaphore, #tpu.memory_space<semaphore_mem>> -> memref<1x!tpu.dma_semaphore, #tpu.memory_space<semaphore_mem>>
    %dma_wait3A_866 = tpu.memref_squeeze %dma_wait3A_865 : memref<1x!tpu.dma_semaphore, #tpu.memory_space<semaphore_mem>> -> memref<!tpu.dma_semaphore, #tpu.memory_space<semaphore_mem>>
    %dma_wait3A_867 = arith.constant 0 : i32
    %dma_wait3A_868 = arith.constant 0 : i32
    %dma_wait3A_869 = tpu.memref_slice %arg4[%dma_wait3A_857, %dma_wait3A_867, %dma_wait3A_868] : memref<6x16x1024xf32, #tpu.memory_space<vmem>> -> memref<1x16x1024xf32, #tpu.memory_space<vmem>>
    %dma_wait3A_870 = tpu.memref_squeeze %dma_wait3A_869 : memref<1x16x1024xf32, #tpu.memory_space<vmem>> -> memref<16x1024xf32, #tpu.memory_space<vmem>>
    %dma_wait3A_871 = arith.constant 0 : i32
    %dma_wait3A_872 = tpu.memref_slice %arg2[%add3A_636, %dma_wait3A_871] : memref<8192x1024xf32, #tpu.memory_space<hbm>> -> memref<16x1024xf32, #tpu.memory_space<hbm>>
    tpu.wait_dma2 semaphore(%dma_wait3A_866 : memref<!tpu.dma_semaphore, #tpu.memory_space<semaphore_mem>>) src(%dma_wait3A_872 : memref<16x1024xf32, #tpu.memory_space<hbm>>) dst(%dma_wait3A_870 : memref<16x1024xf32, #tpu.memory_space<vmem>>)
    %add3A_873 = arith.constant 192 : i32
    %add3A_874 = arith.addi %mul3A_2, %add3A_873 : i32
    %dma_start3A_875 = arith.constant 0 : i32
    %dma_start3A_876 = arith.constant 0 : i32
    %dma_start3A_877 = arith.constant 0 : i32
    %dma_start3A_878 = arith.constant 0 : i32
    %dma_start3A_879 = tpu.memref_slice %arg4[%dma_start3A_875, %dma_start3A_877, %dma_start3A_878] : memref<6x16x1024xf32, #tpu.memory_space<vmem>> -> memref<1x16x1024xf32, #tpu.memory_space<vmem>>
    %dma_start3A_880 = tpu.memref_squeeze %dma_start3A_879 : memref<1x16x1024xf32, #tpu.memory_space<vmem>> -> memref<16x1024xf32, #tpu.memory_space<vmem>>
    %dma_start3A_881 = arith.constant 0 : i32
    %dma_start3A_882 = tpu.memref_slice %arg3[%add3A_874, %dma_start3A_881] : memref<8192x1024xf32, #tpu.memory_space<hbm>> -> memref<16x1024xf32, #tpu.memory_space<hbm>>
    %dma_start3A_883 = tpu.memref_slice %arg6[%dma_start3A_876] : memref<6x!tpu.dma_semaphore, #tpu.memory_space<semaphore_mem>> -> memref<1x!tpu.dma_semaphore, #tpu.memory_space<semaphore_mem>>
    %dma_start3A_884 = tpu.memref_squeeze %dma_start3A_883 : memref<1x!tpu.dma_semaphore, #tpu.memory_space<semaphore_mem>> -> memref<!tpu.dma_semaphore, #tpu.memory_space<semaphore_mem>>
    %dma_start3A_885 = arith.constant 0 : i32
    %dma_start3A_886 = tpu.memref_slice %arg3[%add3A_874, %dma_start3A_885] : memref<8192x1024xf32, #tpu.memory_space<hbm>> -> memref<16x1024xf32, #tpu.memory_space<hbm>>
    %dma_start3A_887 = arith.constant 0 : i32
    %dma_start3A_888 = arith.constant 0 : i32
    %dma_start3A_889 = tpu.memref_slice %arg4[%dma_start3A_875, %dma_start3A_887, %dma_start3A_888] : memref<6x16x1024xf32, #tpu.memory_space<vmem>> -> memref<1x16x1024xf32, #tpu.memory_space<vmem>>
    %dma_start3A_890 = tpu.memref_squeeze %dma_start3A_889 : memref<1x16x1024xf32, #tpu.memory_space<vmem>> -> memref<16x1024xf32, #tpu.memory_space<vmem>>
    tpu.enqueue_dma source(%dma_start3A_890 : memref<16x1024xf32, #tpu.memory_space<vmem>>) target(%dma_start3A_886 : memref<16x1024xf32, #tpu.memory_space<hbm>>) target_semaphore(%dma_start3A_884 : memref<!tpu.dma_semaphore, #tpu.memory_space<semaphore_mem>>)
    %dma_wait3A_891 = arith.constant 1 : i32
    %dma_wait3A_892 = arith.constant 1 : i32
    %dma_wait3A_893 = arith.constant 0 : i32
    %dma_wait3A_894 = arith.constant 0 : i32
    %dma_wait3A_895 = tpu.memref_slice %arg4[%dma_wait3A_891, %dma_wait3A_893, %dma_wait3A_894] : memref<6x16x1024xf32, #tpu.memory_space<vmem>> -> memref<1x16x1024xf32, #tpu.memory_space<vmem>>
    %dma_wait3A_896 = tpu.memref_squeeze %dma_wait3A_895 : memref<1x16x1024xf32, #tpu.memory_space<vmem>> -> memref<16x1024xf32, #tpu.memory_space<vmem>>
    %dma_wait3A_897 = arith.constant 0 : i32
    %dma_wait3A_898 = tpu.memref_slice %arg2[%add3A_704, %dma_wait3A_897] : memref<8192x1024xf32, #tpu.memory_space<hbm>> -> memref<16x1024xf32, #tpu.memory_space<hbm>>
    %dma_wait3A_899 = tpu.memref_slice %arg5[%dma_wait3A_892] : memref<6x!tpu.dma_semaphore, #tpu.memory_space<semaphore_mem>> -> memref<1x!tpu.dma_semaphore, #tpu.memory_space<semaphore_mem>>
    %dma_wait3A_900 = tpu.memref_squeeze %dma_wait3A_899 : memref<1x!tpu.dma_semaphore, #tpu.memory_space<semaphore_mem>> -> memref<!tpu.dma_semaphore, #tpu.memory_space<semaphore_mem>>
    %dma_wait3A_901 = arith.constant 0 : i32
    %dma_wait3A_902 = arith.constant 0 : i32
    %dma_wait3A_903 = tpu.memref_slice %arg4[%dma_wait3A_891, %dma_wait3A_901, %dma_wait3A_902] : memref<6x16x1024xf32, #tpu.memory_space<vmem>> -> memref<1x16x1024xf32, #tpu.memory_space<vmem>>
    %dma_wait3A_904 = tpu.memref_squeeze %dma_wait3A_903 : memref<1x16x1024xf32, #tpu.memory_space<vmem>> -> memref<16x1024xf32, #tpu.memory_space<vmem>>
    %dma_wait3A_905 = arith.constant 0 : i32
    %dma_wait3A_906 = tpu.memref_slice %arg2[%add3A_704, %dma_wait3A_905] : memref<8192x1024xf32, #tpu.memory_space<hbm>> -> memref<16x1024xf32, #tpu.memory_space<hbm>>
    tpu.wait_dma2 semaphore(%dma_wait3A_900 : memref<!tpu.dma_semaphore, #tpu.memory_space<semaphore_mem>>) src(%dma_wait3A_906 : memref<16x1024xf32, #tpu.memory_space<hbm>>) dst(%dma_wait3A_904 : memref<16x1024xf32, #tpu.memory_space<vmem>>)
    %add3A_907 = arith.constant 208 : i32
    %add3A_908 = arith.addi %mul3A_2, %add3A_907 : i32
    %dma_start3A_909 = arith.constant 1 : i32
    %dma_start3A_910 = arith.constant 1 : i32
    %dma_start3A_911 = arith.constant 0 : i32
    %dma_start3A_912 = arith.constant 0 : i32
    %dma_start3A_913 = tpu.memref_slice %arg4[%dma_start3A_909, %dma_start3A_911, %dma_start3A_912] : memref<6x16x1024xf32, #tpu.memory_space<vmem>> -> memref<1x16x1024xf32, #tpu.memory_space<vmem>>
    %dma_start3A_914 = tpu.memref_squeeze %dma_start3A_913 : memref<1x16x1024xf32, #tpu.memory_space<vmem>> -> memref<16x1024xf32, #tpu.memory_space<vmem>>
    %dma_start3A_915 = arith.constant 0 : i32
    %dma_start3A_916 = tpu.memref_slice %arg3[%add3A_908, %dma_start3A_915] : memref<8192x1024xf32, #tpu.memory_space<hbm>> -> memref<16x1024xf32, #tpu.memory_space<hbm>>
    %dma_start3A_917 = tpu.memref_slice %arg6[%dma_start3A_910] : memref<6x!tpu.dma_semaphore, #tpu.memory_space<semaphore_mem>> -> memref<1x!tpu.dma_semaphore, #tpu.memory_space<semaphore_mem>>
    %dma_start3A_918 = tpu.memref_squeeze %dma_start3A_917 : memref<1x!tpu.dma_semaphore, #tpu.memory_space<semaphore_mem>> -> memref<!tpu.dma_semaphore, #tpu.memory_space<semaphore_mem>>
    %dma_start3A_919 = arith.constant 0 : i32
    %dma_start3A_920 = tpu.memref_slice %arg3[%add3A_908, %dma_start3A_919] : memref<8192x1024xf32, #tpu.memory_space<hbm>> -> memref<16x1024xf32, #tpu.memory_space<hbm>>
    %dma_start3A_921 = arith.constant 0 : i32
    %dma_start3A_922 = arith.constant 0 : i32
    %dma_start3A_923 = tpu.memref_slice %arg4[%dma_start3A_909, %dma_start3A_921, %dma_start3A_922] : memref<6x16x1024xf32, #tpu.memory_space<vmem>> -> memref<1x16x1024xf32, #tpu.memory_space<vmem>>
    %dma_start3A_924 = tpu.memref_squeeze %dma_start3A_923 : memref<1x16x1024xf32, #tpu.memory_space<vmem>> -> memref<16x1024xf32, #tpu.memory_space<vmem>>
    tpu.enqueue_dma source(%dma_start3A_924 : memref<16x1024xf32, #tpu.memory_space<vmem>>) target(%dma_start3A_920 : memref<16x1024xf32, #tpu.memory_space<hbm>>) target_semaphore(%dma_start3A_918 : memref<!tpu.dma_semaphore, #tpu.memory_space<semaphore_mem>>)
    %dma_wait3A_925 = arith.constant 2 : i32
    %dma_wait3A_926 = arith.constant 2 : i32
    %dma_wait3A_927 = arith.constant 0 : i32
    %dma_wait3A_928 = arith.constant 0 : i32
    %dma_wait3A_929 = tpu.memref_slice %arg4[%dma_wait3A_925, %dma_wait3A_927, %dma_wait3A_928] : memref<6x16x1024xf32, #tpu.memory_space<vmem>> -> memref<1x16x1024xf32, #tpu.memory_space<vmem>>
    %dma_wait3A_930 = tpu.memref_squeeze %dma_wait3A_929 : memref<1x16x1024xf32, #tpu.memory_space<vmem>> -> memref<16x1024xf32, #tpu.memory_space<vmem>>
    %dma_wait3A_931 = arith.constant 0 : i32
    %dma_wait3A_932 = tpu.memref_slice %arg2[%add3A_772, %dma_wait3A_931] : memref<8192x1024xf32, #tpu.memory_space<hbm>> -> memref<16x1024xf32, #tpu.memory_space<hbm>>
    %dma_wait3A_933 = tpu.memref_slice %arg5[%dma_wait3A_926] : memref<6x!tpu.dma_semaphore, #tpu.memory_space<semaphore_mem>> -> memref<1x!tpu.dma_semaphore, #tpu.memory_space<semaphore_mem>>
    %dma_wait3A_934 = tpu.memref_squeeze %dma_wait3A_933 : memref<1x!tpu.dma_semaphore, #tpu.memory_space<semaphore_mem>> -> memref<!tpu.dma_semaphore, #tpu.memory_space<semaphore_mem>>
    %dma_wait3A_935 = arith.constant 0 : i32
    %dma_wait3A_936 = arith.constant 0 : i32
    %dma_wait3A_937 = tpu.memref_slice %arg4[%dma_wait3A_925, %dma_wait3A_935, %dma_wait3A_936] : memref<6x16x1024xf32, #tpu.memory_space<vmem>> -> memref<1x16x1024xf32, #tpu.memory_space<vmem>>
    %dma_wait3A_938 = tpu.memref_squeeze %dma_wait3A_937 : memref<1x16x1024xf32, #tpu.memory_space<vmem>> -> memref<16x1024xf32, #tpu.memory_space<vmem>>
    %dma_wait3A_939 = arith.constant 0 : i32
    %dma_wait3A_940 = tpu.memref_slice %arg2[%add3A_772, %dma_wait3A_939] : memref<8192x1024xf32, #tpu.memory_space<hbm>> -> memref<16x1024xf32, #tpu.memory_space<hbm>>
    tpu.wait_dma2 semaphore(%dma_wait3A_934 : memref<!tpu.dma_semaphore, #tpu.memory_space<semaphore_mem>>) src(%dma_wait3A_940 : memref<16x1024xf32, #tpu.memory_space<hbm>>) dst(%dma_wait3A_938 : memref<16x1024xf32, #tpu.memory_space<vmem>>)
    %add3A_941 = arith.constant 224 : i32
    %add3A_942 = arith.addi %mul3A_2, %add3A_941 : i32
    %dma_start3A_943 = arith.constant 2 : i32
    %dma_start3A_944 = arith.constant 2 : i32
    %dma_start3A_945 = arith.constant 0 : i32
    %dma_start3A_946 = arith.constant 0 : i32
    %dma_start3A_947 = tpu.memref_slice %arg4[%dma_start3A_943, %dma_start3A_945, %dma_start3A_946] : memref<6x16x1024xf32, #tpu.memory_space<vmem>> -> memref<1x16x1024xf32, #tpu.memory_space<vmem>>
    %dma_start3A_948 = tpu.memref_squeeze %dma_start3A_947 : memref<1x16x1024xf32, #tpu.memory_space<vmem>> -> memref<16x1024xf32, #tpu.memory_space<vmem>>
    %dma_start3A_949 = arith.constant 0 : i32
    %dma_start3A_950 = tpu.memref_slice %arg3[%add3A_942, %dma_start3A_949] : memref<8192x1024xf32, #tpu.memory_space<hbm>> -> memref<16x1024xf32, #tpu.memory_space<hbm>>
    %dma_start3A_951 = tpu.memref_slice %arg6[%dma_start3A_944] : memref<6x!tpu.dma_semaphore, #tpu.memory_space<semaphore_mem>> -> memref<1x!tpu.dma_semaphore, #tpu.memory_space<semaphore_mem>>
    %dma_start3A_952 = tpu.memref_squeeze %dma_start3A_951 : memref<1x!tpu.dma_semaphore, #tpu.memory_space<semaphore_mem>> -> memref<!tpu.dma_semaphore, #tpu.memory_space<semaphore_mem>>
    %dma_start3A_953 = arith.constant 0 : i32
    %dma_start3A_954 = tpu.memref_slice %arg3[%add3A_942, %dma_start3A_953] : memref<8192x1024xf32, #tpu.memory_space<hbm>> -> memref<16x1024xf32, #tpu.memory_space<hbm>>
    %dma_start3A_955 = arith.constant 0 : i32
    %dma_start3A_956 = arith.constant 0 : i32
    %dma_start3A_957 = tpu.memref_slice %arg4[%dma_start3A_943, %dma_start3A_955, %dma_start3A_956] : memref<6x16x1024xf32, #tpu.memory_space<vmem>> -> memref<1x16x1024xf32, #tpu.memory_space<vmem>>
    %dma_start3A_958 = tpu.memref_squeeze %dma_start3A_957 : memref<1x16x1024xf32, #tpu.memory_space<vmem>> -> memref<16x1024xf32, #tpu.memory_space<vmem>>
    tpu.enqueue_dma source(%dma_start3A_958 : memref<16x1024xf32, #tpu.memory_space<vmem>>) target(%dma_start3A_954 : memref<16x1024xf32, #tpu.memory_space<hbm>>) target_semaphore(%dma_start3A_952 : memref<!tpu.dma_semaphore, #tpu.memory_space<semaphore_mem>>)
    %dma_wait3A_959 = arith.constant 3 : i32
    %dma_wait3A_960 = arith.constant 3 : i32
    %dma_wait3A_961 = arith.constant 0 : i32
    %dma_wait3A_962 = arith.constant 0 : i32
    %dma_wait3A_963 = tpu.memref_slice %arg4[%dma_wait3A_959, %dma_wait3A_961, %dma_wait3A_962] : memref<6x16x1024xf32, #tpu.memory_space<vmem>> -> memref<1x16x1024xf32, #tpu.memory_space<vmem>>
    %dma_wait3A_964 = tpu.memref_squeeze %dma_wait3A_963 : memref<1x16x1024xf32, #tpu.memory_space<vmem>> -> memref<16x1024xf32, #tpu.memory_space<vmem>>
    %dma_wait3A_965 = arith.constant 0 : i32
    %dma_wait3A_966 = tpu.memref_slice %arg2[%add3A_840, %dma_wait3A_965] : memref<8192x1024xf32, #tpu.memory_space<hbm>> -> memref<16x1024xf32, #tpu.memory_space<hbm>>
    %dma_wait3A_967 = tpu.memref_slice %arg5[%dma_wait3A_960] : memref<6x!tpu.dma_semaphore, #tpu.memory_space<semaphore_mem>> -> memref<1x!tpu.dma_semaphore, #tpu.memory_space<semaphore_mem>>
    %dma_wait3A_968 = tpu.memref_squeeze %dma_wait3A_967 : memref<1x!tpu.dma_semaphore, #tpu.memory_space<semaphore_mem>> -> memref<!tpu.dma_semaphore, #tpu.memory_space<semaphore_mem>>
    %dma_wait3A_969 = arith.constant 0 : i32
    %dma_wait3A_970 = arith.constant 0 : i32
    %dma_wait3A_971 = tpu.memref_slice %arg4[%dma_wait3A_959, %dma_wait3A_969, %dma_wait3A_970] : memref<6x16x1024xf32, #tpu.memory_space<vmem>> -> memref<1x16x1024xf32, #tpu.memory_space<vmem>>
    %dma_wait3A_972 = tpu.memref_squeeze %dma_wait3A_971 : memref<1x16x1024xf32, #tpu.memory_space<vmem>> -> memref<16x1024xf32, #tpu.memory_space<vmem>>
    %dma_wait3A_973 = arith.constant 0 : i32
    %dma_wait3A_974 = tpu.memref_slice %arg2[%add3A_840, %dma_wait3A_973] : memref<8192x1024xf32, #tpu.memory_space<hbm>> -> memref<16x1024xf32, #tpu.memory_space<hbm>>
    tpu.wait_dma2 semaphore(%dma_wait3A_968 : memref<!tpu.dma_semaphore, #tpu.memory_space<semaphore_mem>>) src(%dma_wait3A_974 : memref<16x1024xf32, #tpu.memory_space<hbm>>) dst(%dma_wait3A_972 : memref<16x1024xf32, #tpu.memory_space<vmem>>)
    %add3A_975 = arith.constant 240 : i32
    %add3A_976 = arith.addi %mul3A_2, %add3A_975 : i32
    %dma_start3A_977 = arith.constant 3 : i32
    %dma_start3A_978 = arith.constant 3 : i32
    %dma_start3A_979 = arith.constant 0 : i32
    %dma_start3A_980 = arith.constant 0 : i32
    %dma_start3A_981 = tpu.memref_slice %arg4[%dma_start3A_977, %dma_start3A_979, %dma_start3A_980] : memref<6x16x1024xf32, #tpu.memory_space<vmem>> -> memref<1x16x1024xf32, #tpu.memory_space<vmem>>
    %dma_start3A_982 = tpu.memref_squeeze %dma_start3A_981 : memref<1x16x1024xf32, #tpu.memory_space<vmem>> -> memref<16x1024xf32, #tpu.memory_space<vmem>>
    %dma_start3A_983 = arith.constant 0 : i32
    %dma_start3A_984 = tpu.memref_slice %arg3[%add3A_976, %dma_start3A_983] : memref<8192x1024xf32, #tpu.memory_space<hbm>> -> memref<16x1024xf32, #tpu.memory_space<hbm>>
    %dma_start3A_985 = tpu.memref_slice %arg6[%dma_start3A_978] : memref<6x!tpu.dma_semaphore, #tpu.memory_space<semaphore_mem>> -> memref<1x!tpu.dma_semaphore, #tpu.memory_space<semaphore_mem>>
    %dma_start3A_986 = tpu.memref_squeeze %dma_start3A_985 : memref<1x!tpu.dma_semaphore, #tpu.memory_space<semaphore_mem>> -> memref<!tpu.dma_semaphore, #tpu.memory_space<semaphore_mem>>
    %dma_start3A_987 = arith.constant 0 : i32
    %dma_start3A_988 = tpu.memref_slice %arg3[%add3A_976, %dma_start3A_987] : memref<8192x1024xf32, #tpu.memory_space<hbm>> -> memref<16x1024xf32, #tpu.memory_space<hbm>>
    %dma_start3A_989 = arith.constant 0 : i32
    %dma_start3A_990 = arith.constant 0 : i32
    %dma_start3A_991 = tpu.memref_slice %arg4[%dma_start3A_977, %dma_start3A_989, %dma_start3A_990] : memref<6x16x1024xf32, #tpu.memory_space<vmem>> -> memref<1x16x1024xf32, #tpu.memory_space<vmem>>
    %dma_start3A_992 = tpu.memref_squeeze %dma_start3A_991 : memref<1x16x1024xf32, #tpu.memory_space<vmem>> -> memref<16x1024xf32, #tpu.memory_space<vmem>>
    tpu.enqueue_dma source(%dma_start3A_992 : memref<16x1024xf32, #tpu.memory_space<vmem>>) target(%dma_start3A_988 : memref<16x1024xf32, #tpu.memory_space<hbm>>) target_semaphore(%dma_start3A_986 : memref<!tpu.dma_semaphore, #tpu.memory_space<semaphore_mem>>)
    %dma_wait3A_993 = arith.constant 4 : i32
    %dma_wait3A_994 = arith.constant 4 : i32
    %dma_wait3A_995 = arith.constant 0 : i32
    %dma_wait3A_996 = arith.constant 0 : i32
    %dma_wait3A_997 = tpu.memref_slice %arg4[%dma_wait3A_993, %dma_wait3A_995, %dma_wait3A_996] : memref<6x16x1024xf32, #tpu.memory_space<vmem>> -> memref<1x16x1024xf32, #tpu.memory_space<vmem>>
    %dma_wait3A_998 = tpu.memref_squeeze %dma_wait3A_997 : memref<1x16x1024xf32, #tpu.memory_space<vmem>> -> memref<16x1024xf32, #tpu.memory_space<vmem>>
    %dma_wait3A_999 = arith.constant 0 : i32
    %dma_wait3A_1000 = tpu.memref_slice %arg3[%add3A_738, %dma_wait3A_999] : memref<8192x1024xf32, #tpu.memory_space<hbm>> -> memref<16x1024xf32, #tpu.memory_space<hbm>>
    %dma_wait3A_1001 = tpu.memref_slice %arg6[%dma_wait3A_994] : memref<6x!tpu.dma_semaphore, #tpu.memory_space<semaphore_mem>> -> memref<1x!tpu.dma_semaphore, #tpu.memory_space<semaphore_mem>>
    %dma_wait3A_1002 = tpu.memref_squeeze %dma_wait3A_1001 : memref<1x!tpu.dma_semaphore, #tpu.memory_space<semaphore_mem>> -> memref<!tpu.dma_semaphore, #tpu.memory_space<semaphore_mem>>
    %dma_wait3A_1003 = arith.constant 0 : i32
    %dma_wait3A_1004 = tpu.memref_slice %arg3[%add3A_738, %dma_wait3A_1003] : memref<8192x1024xf32, #tpu.memory_space<hbm>> -> memref<16x1024xf32, #tpu.memory_space<hbm>>
    %dma_wait3A_1005 = arith.constant 0 : i32
    %dma_wait3A_1006 = arith.constant 0 : i32
    %dma_wait3A_1007 = tpu.memref_slice %arg4[%dma_wait3A_993, %dma_wait3A_1005, %dma_wait3A_1006] : memref<6x16x1024xf32, #tpu.memory_space<vmem>> -> memref<1x16x1024xf32, #tpu.memory_space<vmem>>
    %dma_wait3A_1008 = tpu.memref_squeeze %dma_wait3A_1007 : memref<1x16x1024xf32, #tpu.memory_space<vmem>> -> memref<16x1024xf32, #tpu.memory_space<vmem>>
    tpu.wait_dma2 semaphore(%dma_wait3A_1002 : memref<!tpu.dma_semaphore, #tpu.memory_space<semaphore_mem>>) src(%dma_wait3A_1008 : memref<16x1024xf32, #tpu.memory_space<vmem>>) dst(%dma_wait3A_1004 : memref<16x1024xf32, #tpu.memory_space<hbm>>)
    %dma_wait3A_1009 = arith.constant 5 : i32
    %dma_wait3A_1010 = arith.constant 5 : i32
    %dma_wait3A_1011 = arith.constant 0 : i32
    %dma_wait3A_1012 = arith.constant 0 : i32
    %dma_wait3A_1013 = tpu.memref_slice %arg4[%dma_wait3A_1009, %dma_wait3A_1011, %dma_wait3A_1012] : memref<6x16x1024xf32, #tpu.memory_space<vmem>> -> memref<1x16x1024xf32, #tpu.memory_space<vmem>>
    %dma_wait3A_1014 = tpu.memref_squeeze %dma_wait3A_1013 : memref<1x16x1024xf32, #tpu.memory_space<vmem>> -> memref<16x1024xf32, #tpu.memory_space<vmem>>
    %dma_wait3A_1015 = arith.constant 0 : i32
    %dma_wait3A_1016 = tpu.memref_slice %arg3[%add3A_806, %dma_wait3A_1015] : memref<8192x1024xf32, #tpu.memory_space<hbm>> -> memref<16x1024xf32, #tpu.memory_space<hbm>>
    %dma_wait3A_1017 = tpu.memref_slice %arg6[%dma_wait3A_1010] : memref<6x!tpu.dma_semaphore, #tpu.memory_space<semaphore_mem>> -> memref<1x!tpu.dma_semaphore, #tpu.memory_space<semaphore_mem>>
    %dma_wait3A_1018 = tpu.memref_squeeze %dma_wait3A_1017 : memref<1x!tpu.dma_semaphore, #tpu.memory_space<semaphore_mem>> -> memref<!tpu.dma_semaphore, #tpu.memory_space<semaphore_mem>>
    %dma_wait3A_1019 = arith.constant 0 : i32
    %dma_wait3A_1020 = tpu.memref_slice %arg3[%add3A_806, %dma_wait3A_1019] : memref<8192x1024xf32, #tpu.memory_space<hbm>> -> memref<16x1024xf32, #tpu.memory_space<hbm>>
    %dma_wait3A_1021 = arith.constant 0 : i32
    %dma_wait3A_1022 = arith.constant 0 : i32
    %dma_wait3A_1023 = tpu.memref_slice %arg4[%dma_wait3A_1009, %dma_wait3A_1021, %dma_wait3A_1022] : memref<6x16x1024xf32, #tpu.memory_space<vmem>> -> memref<1x16x1024xf32, #tpu.memory_space<vmem>>
    %dma_wait3A_1024 = tpu.memref_squeeze %dma_wait3A_1023 : memref<1x16x1024xf32, #tpu.memory_space<vmem>> -> memref<16x1024xf32, #tpu.memory_space<vmem>>
    tpu.wait_dma2 semaphore(%dma_wait3A_1018 : memref<!tpu.dma_semaphore, #tpu.memory_space<semaphore_mem>>) src(%dma_wait3A_1024 : memref<16x1024xf32, #tpu.memory_space<vmem>>) dst(%dma_wait3A_1020 : memref<16x1024xf32, #tpu.memory_space<hbm>>)
    %dma_wait3A_1025 = arith.constant 0 : i32
    %dma_wait3A_1026 = arith.constant 0 : i32
    %dma_wait3A_1027 = arith.constant 0 : i32
    %dma_wait3A_1028 = arith.constant 0 : i32
    %dma_wait3A_1029 = tpu.memref_slice %arg4[%dma_wait3A_1025, %dma_wait3A_1027, %dma_wait3A_1028] : memref<6x16x1024xf32, #tpu.memory_space<vmem>> -> memref<1x16x1024xf32, #tpu.memory_space<vmem>>
    %dma_wait3A_1030 = tpu.memref_squeeze %dma_wait3A_1029 : memref<1x16x1024xf32, #tpu.memory_space<vmem>> -> memref<16x1024xf32, #tpu.memory_space<vmem>>
    %dma_wait3A_1031 = arith.constant 0 : i32
    %dma_wait3A_1032 = tpu.memref_slice %arg3[%add3A_874, %dma_wait3A_1031] : memref<8192x1024xf32, #tpu.memory_space<hbm>> -> memref<16x1024xf32, #tpu.memory_space<hbm>>
    %dma_wait3A_1033 = tpu.memref_slice %arg6[%dma_wait3A_1026] : memref<6x!tpu.dma_semaphore, #tpu.memory_space<semaphore_mem>> -> memref<1x!tpu.dma_semaphore, #tpu.memory_space<semaphore_mem>>
    %dma_wait3A_1034 = tpu.memref_squeeze %dma_wait3A_1033 : memref<1x!tpu.dma_semaphore, #tpu.memory_space<semaphore_mem>> -> memref<!tpu.dma_semaphore, #tpu.memory_space<semaphore_mem>>
    %dma_wait3A_1035 = arith.constant 0 : i32
    %dma_wait3A_1036 = tpu.memref_slice %arg3[%add3A_874, %dma_wait3A_1035] : memref<8192x1024xf32, #tpu.memory_space<hbm>> -> memref<16x1024xf32, #tpu.memory_space<hbm>>
    %dma_wait3A_1037 = arith.constant 0 : i32
    %dma_wait3A_1038 = arith.constant 0 : i32
    %dma_wait3A_1039 = tpu.memref_slice %arg4[%dma_wait3A_1025, %dma_wait3A_1037, %dma_wait3A_1038] : memref<6x16x1024xf32, #tpu.memory_space<vmem>> -> memref<1x16x1024xf32, #tpu.memory_space<vmem>>
    %dma_wait3A_1040 = tpu.memref_squeeze %dma_wait3A_1039 : memref<1x16x1024xf32, #tpu.memory_space<vmem>> -> memref<16x1024xf32, #tpu.memory_space<vmem>>
    tpu.wait_dma2 semaphore(%dma_wait3A_1034 : memref<!tpu.dma_semaphore, #tpu.memory_space<semaphore_mem>>) src(%dma_wait3A_1040 : memref<16x1024xf32, #tpu.memory_space<vmem>>) dst(%dma_wait3A_1036 : memref<16x1024xf32, #tpu.memory_space<hbm>>)
    %dma_wait3A_1041 = arith.constant 1 : i32
    %dma_wait3A_1042 = arith.constant 1 : i32
    %dma_wait3A_1043 = arith.constant 0 : i32
    %dma_wait3A_1044 = arith.constant 0 : i32
    %dma_wait3A_1045 = tpu.memref_slice %arg4[%dma_wait3A_1041, %dma_wait3A_1043, %dma_wait3A_1044] : memref<6x16x1024xf32, #tpu.memory_space<vmem>> -> memref<1x16x1024xf32, #tpu.memory_space<vmem>>
    %dma_wait3A_1046 = tpu.memref_squeeze %dma_wait3A_1045 : memref<1x16x1024xf32, #tpu.memory_space<vmem>> -> memref<16x1024xf32, #tpu.memory_space<vmem>>
    %dma_wait3A_1047 = arith.constant 0 : i32
    %dma_wait3A_1048 = tpu.memref_slice %arg3[%add3A_908, %dma_wait3A_1047] : memref<8192x1024xf32, #tpu.memory_space<hbm>> -> memref<16x1024xf32, #tpu.memory_space<hbm>>
    %dma_wait3A_1049 = tpu.memref_slice %arg6[%dma_wait3A_1042] : memref<6x!tpu.dma_semaphore, #tpu.memory_space<semaphore_mem>> -> memref<1x!tpu.dma_semaphore, #tpu.memory_space<semaphore_mem>>
    %dma_wait3A_1050 = tpu.memref_squeeze %dma_wait3A_1049 : memref<1x!tpu.dma_semaphore, #tpu.memory_space<semaphore_mem>> -> memref<!tpu.dma_semaphore, #tpu.memory_space<semaphore_mem>>
    %dma_wait3A_1051 = arith.constant 0 : i32
    %dma_wait3A_1052 = tpu.memref_slice %arg3[%add3A_908, %dma_wait3A_1051] : memref<8192x1024xf32, #tpu.memory_space<hbm>> -> memref<16x1024xf32, #tpu.memory_space<hbm>>
    %dma_wait3A_1053 = arith.constant 0 : i32
    %dma_wait3A_1054 = arith.constant 0 : i32
    %dma_wait3A_1055 = tpu.memref_slice %arg4[%dma_wait3A_1041, %dma_wait3A_1053, %dma_wait3A_1054] : memref<6x16x1024xf32, #tpu.memory_space<vmem>> -> memref<1x16x1024xf32, #tpu.memory_space<vmem>>
    %dma_wait3A_1056 = tpu.memref_squeeze %dma_wait3A_1055 : memref<1x16x1024xf32, #tpu.memory_space<vmem>> -> memref<16x1024xf32, #tpu.memory_space<vmem>>
    tpu.wait_dma2 semaphore(%dma_wait3A_1050 : memref<!tpu.dma_semaphore, #tpu.memory_space<semaphore_mem>>) src(%dma_wait3A_1056 : memref<16x1024xf32, #tpu.memory_space<vmem>>) dst(%dma_wait3A_1052 : memref<16x1024xf32, #tpu.memory_space<hbm>>)
    %dma_wait3A_1057 = arith.constant 2 : i32
    %dma_wait3A_1058 = arith.constant 2 : i32
    %dma_wait3A_1059 = arith.constant 0 : i32
    %dma_wait3A_1060 = arith.constant 0 : i32
    %dma_wait3A_1061 = tpu.memref_slice %arg4[%dma_wait3A_1057, %dma_wait3A_1059, %dma_wait3A_1060] : memref<6x16x1024xf32, #tpu.memory_space<vmem>> -> memref<1x16x1024xf32, #tpu.memory_space<vmem>>
    %dma_wait3A_1062 = tpu.memref_squeeze %dma_wait3A_1061 : memref<1x16x1024xf32, #tpu.memory_space<vmem>> -> memref<16x1024xf32, #tpu.memory_space<vmem>>
    %dma_wait3A_1063 = arith.constant 0 : i32
    %dma_wait3A_1064 = tpu.memref_slice %arg3[%add3A_942, %dma_wait3A_1063] : memref<8192x1024xf32, #tpu.memory_space<hbm>> -> memref<16x1024xf32, #tpu.memory_space<hbm>>
    %dma_wait3A_1065 = tpu.memref_slice %arg6[%dma_wait3A_1058] : memref<6x!tpu.dma_semaphore, #tpu.memory_space<semaphore_mem>> -> memref<1x!tpu.dma_semaphore, #tpu.memory_space<semaphore_mem>>
    %dma_wait3A_1066 = tpu.memref_squeeze %dma_wait3A_1065 : memref<1x!tpu.dma_semaphore, #tpu.memory_space<semaphore_mem>> -> memref<!tpu.dma_semaphore, #tpu.memory_space<semaphore_mem>>
    %dma_wait3A_1067 = arith.constant 0 : i32
    %dma_wait3A_1068 = tpu.memref_slice %arg3[%add3A_942, %dma_wait3A_1067] : memref<8192x1024xf32, #tpu.memory_space<hbm>> -> memref<16x1024xf32, #tpu.memory_space<hbm>>
    %dma_wait3A_1069 = arith.constant 0 : i32
    %dma_wait3A_1070 = arith.constant 0 : i32
    %dma_wait3A_1071 = tpu.memref_slice %arg4[%dma_wait3A_1057, %dma_wait3A_1069, %dma_wait3A_1070] : memref<6x16x1024xf32, #tpu.memory_space<vmem>> -> memref<1x16x1024xf32, #tpu.memory_space<vmem>>
    %dma_wait3A_1072 = tpu.memref_squeeze %dma_wait3A_1071 : memref<1x16x1024xf32, #tpu.memory_space<vmem>> -> memref<16x1024xf32, #tpu.memory_space<vmem>>
    tpu.wait_dma2 semaphore(%dma_wait3A_1066 : memref<!tpu.dma_semaphore, #tpu.memory_space<semaphore_mem>>) src(%dma_wait3A_1072 : memref<16x1024xf32, #tpu.memory_space<vmem>>) dst(%dma_wait3A_1068 : memref<16x1024xf32, #tpu.memory_space<hbm>>)
    %dma_wait3A_1073 = arith.constant 3 : i32
    %dma_wait3A_1074 = arith.constant 3 : i32
    %dma_wait3A_1075 = arith.constant 0 : i32
    %dma_wait3A_1076 = arith.constant 0 : i32
    %dma_wait3A_1077 = tpu.memref_slice %arg4[%dma_wait3A_1073, %dma_wait3A_1075, %dma_wait3A_1076] : memref<6x16x1024xf32, #tpu.memory_space<vmem>> -> memref<1x16x1024xf32, #tpu.memory_space<vmem>>
    %dma_wait3A_1078 = tpu.memref_squeeze %dma_wait3A_1077 : memref<1x16x1024xf32, #tpu.memory_space<vmem>> -> memref<16x1024xf32, #tpu.memory_space<vmem>>
    %dma_wait3A_1079 = arith.constant 0 : i32
    %dma_wait3A_1080 = tpu.memref_slice %arg3[%add3A_976, %dma_wait3A_1079] : memref<8192x1024xf32, #tpu.memory_space<hbm>> -> memref<16x1024xf32, #tpu.memory_space<hbm>>
    %dma_wait3A_1081 = tpu.memref_slice %arg6[%dma_wait3A_1074] : memref<6x!tpu.dma_semaphore, #tpu.memory_space<semaphore_mem>> -> memref<1x!tpu.dma_semaphore, #tpu.memory_space<semaphore_mem>>
    %dma_wait3A_1082 = tpu.memref_squeeze %dma_wait3A_1081 : memref<1x!tpu.dma_semaphore, #tpu.memory_space<semaphore_mem>> -> memref<!tpu.dma_semaphore, #tpu.memory_space<semaphore_mem>>
    %dma_wait3A_1083 = arith.constant 0 : i32
    %dma_wait3A_1084 = tpu.memref_slice %arg3[%add3A_976, %dma_wait3A_1083] : memref<8192x1024xf32, #tpu.memory_space<hbm>> -> memref<16x1024xf32, #tpu.memory_space<hbm>>
    %dma_wait3A_1085 = arith.constant 0 : i32
    %dma_wait3A_1086 = arith.constant 0 : i32
    %dma_wait3A_1087 = tpu.memref_slice %arg4[%dma_wait3A_1073, %dma_wait3A_1085, %dma_wait3A_1086] : memref<6x16x1024xf32, #tpu.memory_space<vmem>> -> memref<1x16x1024xf32, #tpu.memory_space<vmem>>
    %dma_wait3A_1088 = tpu.memref_squeeze %dma_wait3A_1087 : memref<1x16x1024xf32, #tpu.memory_space<vmem>> -> memref<16x1024xf32, #tpu.memory_space<vmem>>
    tpu.wait_dma2 semaphore(%dma_wait3A_1082 : memref<!tpu.dma_semaphore, #tpu.memory_space<semaphore_mem>>) src(%dma_wait3A_1088 : memref<16x1024xf32, #tpu.memory_space<vmem>>) dst(%dma_wait3A_1084 : memref<16x1024xf32, #tpu.memory_space<hbm>>)
    return
  }
}

</mosaic_0001>

<sc_bundles>
// kernel: kernel.3.cloned.1.call-start
scs
__scs_entry_jumppad:
0x0: {  	(pc) =	sbr.rel $0x88, $3  }
0x1: {  	(tag) =	ssettag $0x0;
	lr =	simm.s32 $0x1  }
0x2: {  	[smem:$0x3FA0] =	sst lr;
	_ =	strace $0xD0000000  }
0x3: {  	_ = 	snop  }
0x4: {  	_ = 	snop  }
0x5: {  	_ = 	snop  }
0x6: {  	_ = 	snop  }
0x7: {  	_ = 	snop  }
__scs_overlays_trampoline_lowered:
0x8: {  	[smem:$0x3FAF] =	sst s0  }
0x9: {  	[smem:$0x3FB0] =	sst s1  }
0xa: {  	[smem:$0x3FB1] =	sst s2  }
0xb: {  	[smem:$0x3FB2] =	sst s3  }
0xc: {  	[smem:$0x3FB3] =	sst s4  }
0xd: {  	[smem:$0x3FB4] =	sst s5  }
0xe: {  	[smem:$0x3FB5] =	sst s6  }
0xf: {  	[smem:$0x3FB6] =	sst s7  }
0x10: {  	[smem:$0x3FB7] =	sst s8  }
0x11: {  	[smem:$0x3FB8] =	sst s9;
	s0 =	simm.s32 @!p0 $0x0  }
0x12: {  	s1 =	sld [smem:$0x3F9E];
	s0 =	simm.s32 @p0 $0x1  }
0x13: {  	[smem:$0x3FB9] =	sst s0;
	s0 =	simm.s32 @!p1 $0x0  }
0x14: {  	s2 =	sld [smem:$0x3F9D];
	s0 =	simm.s32 @p1 $0x1  }
0x15: {  	[smem:$0x3FBA] =	sst s0;
	s0 =	simm.s32 @!p2 $0x0  }
0x16: {  	s3 =	sld [smem:$0x3FDB];
	s0 =	simm.s32 @p2 $0x1  }
0x17: {  	s4 =	simm.s32 $0x1BF5;
	[smem:$0x3FBC] =	sst s0  }
0x18: {  	s0 =	sld [smem:$0x3F9F];
	_ =	swait.ge [sflag:s4], $0x0  }
0x19: {  	s7 =	sld [smem:$0x3FA0]  }
0x1a: {  	s8 =	sadd.s32 $0xFFFFE003, lr  }
0x1b: {  	s9 =	sadd.s32 $0xFFFFFEF7, lr;
	s5 =	simm.s32 $0xFFFFFFFF;
	p2 =	slt.u32 s8, $0xFFFFF086  }
0x1c: {  	p1 =	slt.u32 s9, $0xF7A;
	s5 =	simm.s32 @!p2 $0x0  }
0x1d: {  	s5 =	simm.s32 @p1 $0x1;
	p0 =	seq.s32 s7, s2  }
0x1e: {  	s7 =	smul.u32 @!p0 $0xF7A, s2;
	p2 =	seq.s32 @!p0 s5, $0x0  }
0x1f: {  	s9 =	smul.u32 $0xF7A, s1;
	s8 =	simm.s32 @!p0 $0x1BF5;
	p2 =	por !p2, p0  }
0x20: {  	[sflag:s8] =	ssyncset.s32 @!p0 $0xFFFFF086;
	s6 =	sadd.s32 @!p0 s3, s7;
	s7 =	simm.s32 @!p0 $0x108  }
0x21: {  	s3 =	sadd.s32 s3, s9;
	s6 =	sadd.s32 @!p0 $0x88, s6;
	s7 =	simm.s32 @p2 $0x1082  }
0x22: {  	[simem:s7], [sflag:s8] =	dma.local @!p0 [hbm:s6], $0xF7A  }
0x23: {  	s9 =	sor.u32 $0xD0000000, s2;
	s6 =	simm.s32 $0x108;
	_ =	swait.ge @!p0 [sflag:s8], $0x0  }
0x24: {  	s3 =	sadd.s32 $0x88, s3;
	s6 =	simm.s32 @!p1 $0x1082;
	[sflag:s4] =	ssyncset.s32 $0xFFFFF086  }
0x25: {  	[simem:s6], [sflag:s4] =	dma.local [hbm:s3], $0xF7A  }
0x26: {  	[smem:$0x3FA0] =	sst s1;
	(tag) =	ssettag s2;
	_ =	strace s9  }
0x27: {  	s1 =	sld [smem:$0x3FB0]  }
0x28: {  	s2 =	sld [smem:$0x3FB1]  }
0x29: {  	s4 =	sld [smem:$0x3FB3]  }
0x2a: {  	p0 =	seq.s32 s5, $0x0;
	s5 =	sld [smem:$0x3FB4]  }
0x2b: {  	s6 =	sld [smem:$0x3FB5]  }
0x2c: {  	s7 =	sld [smem:$0x3FB6]  }
0x2d: {  	s3 =	simm.s32 $0x108;
	s8 =	sld [smem:$0x3FB7]  }
0x2e: {  	s3 =	simm.s32 @!p0 $0x1082;
	s9 =	sld [smem:$0x3FB8]  }
0x2f: {  	lr =	sadd.s32 s0, s3;
	s0 =	sld [smem:$0x3FAF]  }
0x30: {  	s3 =	sld [smem:$0x3FB2]  }
0x31: {  	[smem:$0x3FBB] =	sst s10  }
0x32: {  	s10 =	sld [smem:$0x3FB9];
	_ =	sdelay $0x3  }
0x33: {  	p0 =	seq.s32 s10, $0x1;
	s10 =	sld [smem:$0x3FBB];
	_ =	sdelay $0x3  }
0x34: {  	[smem:$0x3FBB] =	sst s10  }
0x35: {  	s10 =	sld [smem:$0x3FBA];
	_ =	sdelay $0x3  }
0x36: {  	p1 =	seq.s32 s10, $0x1;
	s10 =	sld [smem:$0x3FBB];
	_ =	sdelay $0x3  }
0x37: {  	[smem:$0x3FBB] =	sst s10  }
0x38: {  	s10 =	sld [smem:$0x3FBC]  }
0x39: {  	_ = 	snop;
	(pc) =	sbr.ind lr, $3  }
0x3a: {  	_ = 	snop  }
0x3b: {  	_ = 	snop  }
0x3c: {  	p2 =	seq.s32 s10, $0x1;
	s10 =	sld [smem:$0x3FBB]  }
0x3d: {  	_ =	shalt  }
0x3e: {  	_ =	shalt  }
0x3f: {  	_ =	shalt  }
0x40: {  	_ =	shalt  }
0x41: {  	_ =	shalt  }
0x42: {  	_ =	shalt  }
0x43: {  	_ =	shalt  }
0x44: {  	_ =	shalt  }
0x45: {  	_ =	shalt  }
0x46: {  	_ =	shalt  }
0x47: {  	_ =	shalt  }
0x48: {  	_ =	shalt  }
0x49: {  	_ =	shalt  }
0x4a: {  	_ =	shalt  }
0x4b: {  	_ =	shalt  }
0x4c: {  	_ =	shalt  }
0x4d: {  	_ =	shalt  }
0x4e: {  	_ =	shalt  }
0x4f: {  	_ =	shalt  }
0x50: {  	_ =	shalt  }
0x51: {  	_ =	shalt  }
0x52: {  	_ =	shalt  }
0x53: {  	_ =	shalt  }
0x54: {  	_ =	shalt  }
0x55: {  	_ =	shalt  }
0x56: {  	_ =	shalt  }
0x57: {  	_ =	shalt  }
0x58: {  	_ =	shalt  }
0x59: {  	_ =	shalt  }
0x5a: {  	_ =	shalt  }
0x5b: {  	_ =	shalt  }
0x5c: {  	_ =	shalt  }
0x5d: {  	_ =	shalt  }
0x5e: {  	_ =	shalt  }
0x5f: {  	_ =	shalt  }
0x60: {  	_ =	shalt  }
0x61: {  	_ =	shalt  }
0x62: {  	_ =	shalt  }
0x63: {  	_ =	shalt  }
0x64: {  	_ =	shalt  }
0x65: {  	_ =	shalt  }
0x66: {  	_ =	shalt  }
0x67: {  	_ =	shalt  }
0x68: {  	_ =	shalt  }
0x69: {  	_ =	shalt  }
0x6a: {  	_ =	shalt  }
0x6b: {  	_ =	shalt  }
0x6c: {  	_ =	shalt  }
0x6d: {  	_ =	shalt  }
0x6e: {  	_ =	shalt  }
0x6f: {  	_ =	shalt  }
0x70: {  	_ =	shalt  }
0x71: {  	_ =	shalt  }
0x72: {  	_ =	shalt  }
0x73: {  	_ =	shalt  }
0x74: {  	_ =	shalt  }
0x75: {  	_ =	shalt  }
0x76: {  	_ =	shalt  }
0x77: {  	_ =	shalt  }
0x78: {  	_ =	shalt  }
0x79: {  	_ =	shalt  }
0x7a: {  	_ =	shalt  }
0x7b: {  	_ =	shalt  }
0x7c: {  	_ =	shalt  }
0x7d: {  	_ =	shalt  }
0x7e: {  	_ =	shalt  }
0x7f: {  	_ =	shalt  }
0x80: {  	_ =	shalt  }
0x81: {  	_ =	shalt  }
0x82: {  	_ =	shalt  }
0x83: {  	_ =	shalt  }
0x84: {  	_ =	shalt  }
0x85: {  	_ =	shalt  }
0x86: {  	_ =	shalt  }
0x87: {  	_ =	shalt  }
.Lfunc_end0:
.L_simem_size_0:
called_computation_lowered:
.L_overlay_start_0:
0x88: {  	s2 =	sld [smem:$0x3FD9]  }
0x89: {  	s3 =	sld [smem:$0x3FFE];
	_ =	sdelay $0x1  }
0x8a: {  	s1 =	srdreg.scid  }
0x8b: {  	s0 =	sand.u32 $0x1, s1  }
0x8c: {  	s18 =	sshll.u32 s0, $0xA;
	s2 =	sadd.s32 s3, s2  }
0x8d: {  	s2 =	sadd.s32 s2, s18  }
0x8e: {  	[smem:$0x3FC7] =	sst s2  }
0x8f: {  	_ = 	snop  }
0x90: {  	s2 =	sld [smem:$0x3FC9]  }
0x91: {  	s19 =	sld [smem:$0x3FD0];
	(tm) =	ssettm $0x1  }
0x92: {  	s4 =	sld [smem:$0x3FFB];
	_ =	sdelay $0x3  }
0x93: {  	_ =	strace s4  }
0x94: {  	s4 =	sld [smem:$0x3FFC];
	_ =	sdelay $0x3  }
0x95: {  	_ =	strace s4  }
0x96: {  	s4 =	sld [smem:$0x3FFD];
	_ =	sdelay $0x3  }
0x97: {  	_ =	strace s4  }
0x98: {  	_ =	strace $0x8FFFFFFF  }
0x99: {  	s20 =	sld [smem:$0x3FDB];
	_ =	sdelay $0x1  }
0x9a: {  	s5 =	simm.s32 $_scs_section_size  }
0x9b: {  	s6 =	simm.s32 $_size__tile_overlayer_lowered;
	s7 =	simm.s32 $_tile_overlayer_lowered  }
0x9c: {  	s23 =	simm.s32 $0x1BFF;
	s22 =	sshll.u32 s7, $0x1;
	s4 =	sadd.s32 s5, s20  }
0x9d: {  	s8 =	simm.s32 $0x0;
	s21 =	sshll.u32 s6, $0x1;
	s6 =	sadd.s32 s22, s4  }
0x9e: {  	[timem:s8], [sflag:s23] =	dma.local [hbm:s6], s21  }
0x9f: {  	_ =	swait.ge [sflag:s23], s21  }
0xa0: {  	s5 =	ssub.s32 $0x0, s21;
	[sflag:s23] =	ssyncset.done $0x0  }
0xa1: {  	[sflag:s23] =	ssyncadd.s32 s5;
	_ =	sdelay $0x1  }
0xa2: {  	s24 =	simm.s32 $0x1B8B  }
0xa3: {  	_ =	swait.ge [sflag:s24], $0x1  }
0xa4: {  	[sflag:s24] =	ssyncset.done $0x0  }
0xa5: {  	s25 =	simm.s32 $0x1B8E;
	[sflag:s24] =	ssyncadd.s32 $0xFFFFFFFF  }
0xa6: {  	s26 =	simm.s32 $execute0_lowered;
	[smem:$0x3FD2] =	sst s25  }
0xa7: {  	s5 =	sshll.u32 s26, $0x1;
	_ =	strace $0x80000046;
	[dreg:$0x1] =	wrdreg $0xFFFFFFFF  }
0xa8: {  	s28 =	simm.s32 $_size_execute0_lowered;
	s4 =	sadd.s32 s4, s5;
	[dreg:$0x0] =	wrdreg $0x0  }
0xa9: {  	s5 =	sshll.u32 s28, $0x1;
	[dreg:$0x2] =	wrdreg s4  }
0xaa: {  	[dreg:$0x3] =	wrdreg s5  }
0xab: {  	[dreg:$0x4] =	wrdreg $0xC0  }
0xac: {  	_ =	task [dreg:s8], $0x5FFFF  }
0xad: {  	[dreg:$0x1] =	wrdreg $0xFFFFFFFF  }
0xae: {  	[dreg:$0x0] =	wrdreg $0x60  }
0xaf: {  	[dreg:$0x2] =	wrdreg s2  }
0xb0: {  	[dreg:$0x3] =	wrdreg s19  }
0xb1: {  	[dreg:$0x4] =	wrdreg $0x9  }
0xb2: {  	_ =	task.clear_ibuf [dreg:s8], $0x5FFFF;
	_ =	strace $0x90000046  }
0xb3: {  	s29 =	simm.s32 $0x9;
	_ =	strace $0x80000048  }
0xb4: {  	_ =	swait.ge [sflag:s29], $0x1  }
0xb5: {  	[sflag:s29] =	ssyncadd.s32 $0xFFFFFFFF  }
0xb6: {  	_ =	strace $0x90000048  }
0xb7: {  	_ =	sfence  }
0xb8: {  	s30 =	sld [smem:$0x0];
	_ =	sdelay $0x2  }
0xb9: {  	s31 =	sshll.u32 s1, $0xD;
	s1 =	sshrl.u32 s1, $0x2  }
0xba: {  	s3 =	sand.u32 $0x4000, s31;
	s1 =	sadd.s32 s1, s30  }
0xbb: {  	s0 =	sor.u32 s3, s0;
	s1 =	sshll.u32 s1, $0x11  }
0xbc: {  	s0 =	sor.u32 s1, s0  }
0xbd: {  	s0 =	sadd.s32 $0x8F2B, s0  }
0xbe: {  	[sflag:s0] =	ssyncadd.remote.s32 $0x1  }
0xbf: {  	_ =	sfence.sel $0xFFFF  }
0xc0: {  	[dreg:$0x0] =	wrdreg $0xFFFFFFFF;
	(pc) =	sbr.abs _section_cstart, $3  }
0xc1: {  	[dreg:$0x1] =	wrdreg $0xFFFFFFFF  }
0xc2: {  	_ =	task.clear_ibuf [dreg:s8], $0x2FFFF;
	_ =	strace $0x9FFFFFFF  }
0xc3: {  	(tm) =	ssettm $0x7FFFFFFF  }
tec
execute0_lowered:
.L_overlay_start_1:
0x0: {  	(tag) =	ssettag $0x1  }
0x1: {  	s3 =	rddreg [dreg:$0x0]  }
0x2: {  	s0 =	rddreg [dreg:$0x1];
	s1 =	srdreg.scid  }
0x3: {  	s4 =	stileid.u32;
	s2 =	simm.s32 $0x0;
	s29 =	simm.s32 $0x10000  }
0x4: {  	s28 =	simm.s32 $0x14000;
	p0 =	por $0x0, $0x0;
	s1 =	sand.u32 $0x1, s1  }
0x5: {  	s31 =	simm.s32 $0x5;
	s4 =	sshll.u32 s4, $0x10;
	s5 =	sshll.u32 s1, $0xF  }
0x6: {  	s30 =	simm.s32 $0x6;
	[smem:$0x7FF] =	sst s2;
	s4 =	sor.u32 s5, s4  }
0x7: {  	_ =	strace $0x80000047;
	s1 =	ssub.s32 $0x2, s1;
	s5 =	sadd.s32 s3, s4  }
0x8: {  	s6 =	sor.u32 $0x800, s4;
	s10 =	sadd.s32 s0, s4;
	[dreg:$0x3] =	wrdreg s5  }
0x9: {  	s7 =	sor.u32 $0x1000, s4;
	s25 =	sadd.s32 s3, s6;
	[dreg:$0x7] =	wrdreg s10  }
0xa: {  	s8 =	sor.u32 $0x1800, s4;
	s26 =	sadd.s32 s3, s7;
	[dreg:$0x4] =	wrdreg s25  }
0xb: {  	s13 =	sor.u32 $0x2800, s4;
	s9 =	sadd.s32 s3, s8;
	[dreg:$0x5] =	wrdreg s26  }
0xc: {  	s16 =	sor.u32 $0x3000, s4;
	s12 =	sadd.s32 s0, s6;
	[dreg:$0x6] =	wrdreg s9  }
0xd: {  	s19 =	sor.u32 $0x3800, s4;
	s14 =	sadd.s32 s3, s13;
	[dreg:$0x9] =	wrdreg s12  }
0xe: {  	s22 =	sor.u32 $0x4000, s4;
	s15 =	sadd.s32 s0, s7;
	[dreg:$0xa] =	wrdreg s14  }
0xf: {  	s17 =	sadd.s32 s3, s16;
	s18 =	sadd.s32 s0, s8;
	[dreg:$0xb] =	wrdreg s15  }
0x10: {  	s20 =	sadd.s32 s3, s19;
	s23 =	sadd.s32 s3, s22;
	[dreg:$0xc] =	wrdreg s17  }
0x11: {  	s24 =	sadd.s32 s0, s13;
	s10 =	sadd.s32 s0, s16;
	[dreg:$0xd] =	wrdreg s18  }
0x12: {  	s13 =	sadd.s32 s0, s19;
	s16 =	sadd.s32 s0, s22;
	[dreg:$0xe] =	wrdreg s20  }
0x13: {  	s19 =	sor.u32 $0x7000, s4;
	s22 =	simm.s32 $0x1;
	[dreg:$0x10] =	wrdreg s23  }
0x14: {  	s5 =	simm.s32 $0x7;
	s7 =	simm.s32 $0x9;
	[dreg:$0x11] =	wrdreg s24  }
0x15: {  	s6 =	simm.s32 $0xA;
	s9 =	sor.u32 $0x2000, s4;
	[dreg:$0x13] =	wrdreg s10  }
0x16: {  	s25 =	sor.u32 $0x4800, s4;
	s14 =	sor.u32 $0x5800, s4;
	[dreg:$0x15] =	wrdreg s13  }
0x17: {  	s10 =	sshrl.u32 s1, $0x1;
	[dreg:$0x17] =	wrdreg s16;
	s17 =	sor.u32 $0x6000, s4  }
0x18: {  	s18 =	sor.u32 $0x6800, s4;
	s20 =	sadd.s32 s3, s19;
	s8 =	sadd.s32 s0, s19  }
0x19: {  	s13 =	simm.s32 $0x4000;
	s19 =	simm.s32 $0x2;
	s11 =	sadd.s32 s3, s9  }
0x1a: {  	s21 =	sadd.s32 s0, s9;
	s26 =	sadd.s32 s3, s25;
	s15 =	sadd.s32 s3, s14  }
0x1b: {  	s1 =	ssub.s32 s1, s10;
	s25 =	sadd.s32 s0, s25;
	s24 =	sadd.s32 s3, s18  }
0x1c: {  	s16 =	sadd.s32 s0, s14;
	s10 =	sadd.s32 s0, s18;
	[dreg:$0x8] =	wrdreg s11  }
0x1d: {  	s9 =	simm.s32 $0xC000;
	s18 =	simm.s32 $0xC;
	[dreg:$0xf] =	wrdreg s21  }
0x1e: {  	[dreg:$0x12] =	wrdreg s26;
	s11 =	sor.u32 $0x5000, s4;
	s21 =	smax.u32 s1, $0x1  }
0x1f: {  	[dreg:$0x16] =	wrdreg s15;
	s26 =	sadd.s32 s3, s17;
	p1 =	sne.s32 s21, $0x1  }
.Ltmp0:
0x20: {  	s4 =	sor.u32 $0x7800, s4;
	s15 =	simm.s32 $0x4;
	(pc) =	sbr.rel @!p1 .LBB2_3-.Ltmp0, $4  }
0x21: {  	s1 =	rddreg [dreg:$0x3];
	s12 =	sadd.s32 s3, s11;
	s23 =	sadd.s32 s0, s11  }
0x22: {  	s14 =	sadd.s32 s3, s4;
	s3 =	sadd.s32 s0, s4;
	s11 =	simm.s32 $0x8000  }
0x23: {  	s4 =	simm.s32 $0x8;
	[dreg:$0x14] =	wrdreg s12;
	s12 =	sadd.s32 s0, s17  }
0x24: {  	s17 =	simm.s32 $0x3;
	s0 =	sadd.s32 $0xFFFFFFFF, s21;
	s21 =	simm.s32 $0xB  }
0x25: {  	[dreg:$0x18] =	wrdreg s0  }
0x26: {  	[tilespmem:s2], [sflag:$0x1] =	stream.linear.gather [hbm4b:s1+s2], $0x4000, $0x38;
	[tilespmem:$0x18000] =	vst v63  }
0x27: {  	s0 =	rddreg [dreg:$0x4]  }
0x28: {  	[tilespmem:s13], [sflag:$0x2] =	stream.linear.gather [hbm4b:s0+s2], $0x4000, $0x38;
	[tilespmem:$0x18000] =	vst v63  }
0x29: {  	s1 =	rddreg [dreg:$0x5]  }
0x2a: {  	[tilespmem:s11], [sflag:$0x3] =	stream.linear.gather [hbm4b:s1+s2], $0x4000, $0x38;
	[tilespmem:$0x18000] =	vst v63  }
0x2b: {  	s0 =	rddreg [dreg:$0x6]  }
0x2c: {  	[tilespmem:s9], [sflag:$0x4] =	stream.linear.gather [hbm4b:s0+s2], $0x4000, $0x38;
	[tilespmem:$0x18000] =	vst v63  }
0x2d: {  	_ =	swait.ge [sflag:s22], $0x4000  }
0x2e: {  	[sflag:s22] =	ssyncset.done $0x0  }
0x2f: {  	s0 =	rddreg [dreg:$0x7];
	[sflag:s22] =	ssyncadd.s32 $0xFFFFC000  }
0x30: {  	[hbm4b:s0+s2] =	stream.linear.scatter [tilespmem:s2], [sflag:$0x7], $0x4000, $0x38;
	[tilespmem:$0x18000] =	vst v63  }
0x31: {  	s1 =	rddreg [dreg:$0x8]  }
0x32: {  	[tilespmem:s29], [sflag:$0x5] =	stream.linear.gather [hbm4b:s1+s2], $0x4000, $0x38;
	[tilespmem:$0x18000] =	vst v63  }
0x33: {  	_ =	swait.ge [sflag:s19], $0x4000  }
0x34: {  	[sflag:s19] =	ssyncset.done $0x0  }
0x35: {  	s0 =	rddreg [dreg:$0x9];
	[sflag:s19] =	ssyncadd.s32 $0xFFFFC000  }
0x36: {  	[hbm4b:s0+s2] =	stream.linear.scatter [tilespmem:s13], [sflag:$0x8], $0x4000, $0x38;
	[tilespmem:$0x18000] =	vst v63  }
0x37: {  	s1 =	rddreg [dreg:$0xa]  }
0x38: {  	[tilespmem:s28], [sflag:$0x6] =	stream.linear.gather [hbm4b:s1+s2], $0x4000, $0x38;
	[tilespmem:$0x18000] =	vst v63  }
0x39: {  	_ =	swait.ge [sflag:s17], $0x4000  }
0x3a: {  	[sflag:s17] =	ssyncset.done $0x0  }
0x3b: {  	s1 =	rddreg [dreg:$0xb];
	[sflag:s17] =	ssyncadd.s32 $0xFFFFC000  }
0x3c: {  	[hbm4b:s1+s2] =	stream.linear.scatter [tilespmem:s11], [sflag:$0x9], $0x4000, $0x38;
	[tilespmem:$0x18000] =	vst v63  }
0x3d: {  	_ =	swait.ge [sflag:s5], $0x4000  }
0x3e: {  	[sflag:s5] =	ssyncset.done $0x0  }
0x3f: {  	s1 =	rddreg [dreg:$0xc];
	[sflag:s5] =	ssyncadd.s32 $0xFFFFC000  }
0x40: {  	[tilespmem:s2], [sflag:$0x1] =	stream.linear.gather [hbm4b:s1+s2], $0x4000, $0x38;
	[tilespmem:$0x18000] =	vst v63  }
0x41: {  	_ =	swait.ge [sflag:s15], $0x4000  }
0x42: {  	[sflag:s15] =	ssyncset.done $0x0  }
0x43: {  	s1 =	rddreg [dreg:$0xd];
	[sflag:s15] =	ssyncadd.s32 $0xFFFFC000  }
0x44: {  	[hbm4b:s1+s2] =	stream.linear.scatter [tilespmem:s9], [sflag:$0xA], $0x4000, $0x38;
	[tilespmem:$0x18000] =	vst v63  }
0x45: {  	_ =	swait.ge [sflag:s4], $0x4000  }
0x46: {  	[sflag:s4] =	ssyncset.done $0x0  }
0x47: {  	s1 =	rddreg [dreg:$0xe];
	[sflag:s4] =	ssyncadd.s32 $0xFFFFC000  }
0x48: {  	[tilespmem:s13], [sflag:$0x2] =	stream.linear.gather [hbm4b:s1+s2], $0x4000, $0x38;
	[tilespmem:$0x18000] =	vst v63  }
0x49: {  	_ =	swait.ge [sflag:s31], $0x4000  }
0x4a: {  	[sflag:s31] =	ssyncset.done $0x0  }
0x4b: {  	s1 =	rddreg [dreg:$0xf];
	[sflag:s31] =	ssyncadd.s32 $0xFFFFC000  }
0x4c: {  	[hbm4b:s1+s2] =	stream.linear.scatter [tilespmem:s29], [sflag:$0xB], $0x4000, $0x38;
	[tilespmem:$0x18000] =	vst v63  }
0x4d: {  	_ =	swait.ge [sflag:s7], $0x4000  }
0x4e: {  	[sflag:s7] =	ssyncset.done $0x0  }
0x4f: {  	s1 =	rddreg [dreg:$0x10];
	[sflag:s7] =	ssyncadd.s32 $0xFFFFC000  }
0x50: {  	[tilespmem:s11], [sflag:$0x3] =	stream.linear.gather [hbm4b:s1+s2], $0x4000, $0x38;
	[tilespmem:$0x18000] =	vst v63  }
0x51: {  	_ =	swait.ge [sflag:s30], $0x4000  }
0x52: {  	[sflag:s30] =	ssyncset.done $0x0  }
0x53: {  	s1 =	rddreg [dreg:$0x11];
	[sflag:s30] =	ssyncadd.s32 $0xFFFFC000  }
0x54: {  	[hbm4b:s1+s2] =	stream.linear.scatter [tilespmem:s28], [sflag:$0xC], $0x4000, $0x38;
	[tilespmem:$0x18000] =	vst v63  }
0x55: {  	_ =	swait.ge [sflag:s6], $0x4000  }
0x56: {  	[sflag:s6] =	ssyncset.done $0x0  }
0x57: {  	s1 =	rddreg [dreg:$0x12];
	[sflag:s6] =	ssyncadd.s32 $0xFFFFC000  }
0x58: {  	[tilespmem:s9], [sflag:$0x4] =	stream.linear.gather [hbm4b:s1+s2], $0x4000, $0x38;
	[tilespmem:$0x18000] =	vst v63  }
0x59: {  	_ =	swait.ge [sflag:s22], $0x4000  }
0x5a: {  	[sflag:s22] =	ssyncset.done $0x0  }
0x5b: {  	s1 =	rddreg [dreg:$0x13];
	[sflag:s22] =	ssyncadd.s32 $0xFFFFC000  }
0x5c: {  	[hbm4b:s1+s2] =	stream.linear.scatter [tilespmem:s2], [sflag:$0x7], $0x4000, $0x38;
	[tilespmem:$0x18000] =	vst v63  }
0x5d: {  	_ =	swait.ge [sflag:s21], $0x4000  }
0x5e: {  	[sflag:s21] =	ssyncset.done $0x0  }
0x5f: {  	s1 =	rddreg [dreg:$0x14];
	[sflag:s21] =	ssyncadd.s32 $0xFFFFC000  }
0x60: {  	[tilespmem:s29], [sflag:$0x5] =	stream.linear.gather [hbm4b:s1+s2], $0x4000, $0x38;
	[tilespmem:$0x18000] =	vst v63  }
0x61: {  	_ =	swait.ge [sflag:s19], $0x4000  }
0x62: {  	[sflag:s19] =	ssyncset.done $0x0  }
0x63: {  	s1 =	rddreg [dreg:$0x15];
	[sflag:s19] =	ssyncadd.s32 $0xFFFFC000  }
0x64: {  	[hbm4b:s1+s2] =	stream.linear.scatter [tilespmem:s13], [sflag:$0x8], $0x4000, $0x38;
	[tilespmem:$0x18000] =	vst v63  }
0x65: {  	_ =	swait.ge [sflag:s18], $0x4000  }
0x66: {  	[sflag:s18] =	ssyncset.done $0x0  }
0x67: {  	s1 =	rddreg [dreg:$0x16];
	[sflag:s18] =	ssyncadd.s32 $0xFFFFC000  }
0x68: {  	[tilespmem:s28], [sflag:$0x6] =	stream.linear.gather [hbm4b:s1+s2], $0x4000, $0x38;
	[tilespmem:$0x18000] =	vst v63  }
0x69: {  	_ =	swait.ge [sflag:s17], $0x4000  }
0x6a: {  	[sflag:s17] =	ssyncset.done $0x0  }
0x6b: {  	s1 =	rddreg [dreg:$0x17];
	[sflag:s17] =	ssyncadd.s32 $0xFFFFC000  }
0x6c: {  	[hbm4b:s1+s2] =	stream.linear.scatter [tilespmem:s11], [sflag:$0x9], $0x4000, $0x38;
	[tilespmem:$0x18000] =	vst v63  }
0x6d: {  	_ =	swait.ge [sflag:s5], $0x4000  }
0x6e: {  	[sflag:s5] =	ssyncset.done $0x0  }
0x6f: {  	[sflag:s5] =	ssyncadd.s32 $0xFFFFC000  }
0x70: {  	[tilespmem:s2], [sflag:$0x1] =	stream.linear.gather [hbm4b:s26+s2], $0x4000, $0x38;
	[tilespmem:$0x18000] =	vst v63  }
0x71: {  	_ =	swait.ge [sflag:s15], $0x4000  }
0x72: {  	[sflag:s15] =	ssyncset.done $0x0  }
0x73: {  	[sflag:s15] =	ssyncadd.s32 $0xFFFFC000  }
0x74: {  	[hbm4b:s25+s2] =	stream.linear.scatter [tilespmem:s9], [sflag:$0xA], $0x4000, $0x38;
	[tilespmem:$0x18000] =	vst v63  }
0x75: {  	_ =	swait.ge [sflag:s4], $0x4000  }
0x76: {  	[sflag:s4] =	ssyncset.done $0x0  }
0x77: {  	[sflag:s4] =	ssyncadd.s32 $0xFFFFC000  }
0x78: {  	[tilespmem:s13], [sflag:$0x2] =	stream.linear.gather [hbm4b:s24+s2], $0x4000, $0x38;
	[tilespmem:$0x18000] =	vst v63  }
0x79: {  	_ =	swait.ge [sflag:s31], $0x4000  }
0x7a: {  	[sflag:s31] =	ssyncset.done $0x0  }
0x7b: {  	[sflag:s31] =	ssyncadd.s32 $0xFFFFC000  }
0x7c: {  	[hbm4b:s23+s2] =	stream.linear.scatter [tilespmem:s29], [sflag:$0xB], $0x4000, $0x38;
	[tilespmem:$0x18000] =	vst v63  }
0x7d: {  	_ =	swait.ge [sflag:s7], $0x4000  }
0x7e: {  	[sflag:s7] =	ssyncset.done $0x0  }
0x7f: {  	[sflag:s7] =	ssyncadd.s32 $0xFFFFC000  }
0x80: {  	[tilespmem:s11], [sflag:$0x3] =	stream.linear.gather [hbm4b:s20+s2], $0x4000, $0x38;
	[tilespmem:$0x18000] =	vst v63  }
0x81: {  	_ =	swait.ge [sflag:s30], $0x4000  }
0x82: {  	[sflag:s30] =	ssyncset.done $0x0  }
0x83: {  	[sflag:s30] =	ssyncadd.s32 $0xFFFFC000  }
0x84: {  	[hbm4b:s16+s2] =	stream.linear.scatter [tilespmem:s28], [sflag:$0xC], $0x4000, $0x38;
	[tilespmem:$0x18000] =	vst v63  }
0x85: {  	_ =	swait.ge [sflag:s6], $0x4000  }
0x86: {  	[sflag:s6] =	ssyncset.done $0x0  }
0x87: {  	[sflag:s6] =	ssyncadd.s32 $0xFFFFC000  }
0x88: {  	[tilespmem:s9], [sflag:$0x4] =	stream.linear.gather [hbm4b:s14+s2], $0x4000, $0x38;
	[tilespmem:$0x18000] =	vst v63  }
0x89: {  	_ =	swait.ge [sflag:s22], $0x4000  }
0x8a: {  	[sflag:s22] =	ssyncset.done $0x0  }
0x8b: {  	[sflag:s22] =	ssyncadd.s32 $0xFFFFC000  }
0x8c: {  	[hbm4b:s12+s2] =	stream.linear.scatter [tilespmem:s2], [sflag:$0x7], $0x4000, $0x38;
	[tilespmem:$0x18000] =	vst v63  }
0x8d: {  	_ =	swait.ge [sflag:s19], $0x4000  }
0x8e: {  	[sflag:s19] =	ssyncset.done $0x0  }
0x8f: {  	[sflag:s19] =	ssyncadd.s32 $0xFFFFC000  }
0x90: {  	[hbm4b:s10+s2] =	stream.linear.scatter [tilespmem:s13], [sflag:$0x8], $0x4000, $0x38;
	[tilespmem:$0x18000] =	vst v63  }
0x91: {  	_ =	swait.ge [sflag:s17], $0x4000  }
0x92: {  	[sflag:s17] =	ssyncset.done $0x0  }
0x93: {  	[sflag:s17] =	ssyncadd.s32 $0xFFFFC000  }
0x94: {  	[hbm4b:s8+s2] =	stream.linear.scatter [tilespmem:s11], [sflag:$0x9], $0x4000, $0x38;
	[tilespmem:$0x18000] =	vst v63  }
0x95: {  	_ =	swait.ge [sflag:s15], $0x4000  }
0x96: {  	[sflag:s15] =	ssyncset.done $0x0  }
0x97: {  	[sflag:s15] =	ssyncadd.s32 $0xFFFFC000  }
0x98: {  	[hbm4b:s3+s2] =	stream.linear.scatter [tilespmem:s9], [sflag:$0xA], $0x4000, $0x38;
	[tilespmem:$0x18000] =	vst v63  }
0x99: {  	_ =	swait.ge [sflag:s21], $0x4000  }
0x9a: {  	[sflag:s21] =	ssyncset.done $0x0  }
0x9b: {  	[sflag:s21] =	ssyncadd.s32 $0xFFFFC000  }
0x9c: {  	_ =	swait.ge [sflag:s18], $0x4000  }
0x9d: {  	[sflag:s18] =	ssyncset.done $0x0  }
0x9e: {  	[sflag:s18] =	ssyncadd.s32 $0xFFFFC000  }
0x9f: {  	_ =	swait.ge [sflag:s5], $0x4000  }
0xa0: {  	[sflag:s5] =	ssyncset.done $0x0  }
0xa1: {  	[sflag:s5] =	ssyncadd.s32 $0xFFFFC000  }
0xa2: {  	_ =	swait.ge [sflag:s4], $0x4000  }
0xa3: {  	[sflag:s4] =	ssyncset.done $0x0  }
0xa4: {  	[sflag:s4] =	ssyncadd.s32 $0xFFFFC000  }
0xa5: {  	_ =	swait.ge [sflag:s7], $0x4000  }
0xa6: {  	s1 =	rddreg [dreg:$0x18]  }
0xa7: {  	p1 =	sne.s32 s1, $0x1  }
.Ltmp1:
0xa8: {  	_ = 	snop;
	(pc) =	sbr.rel @!p1 .LBB2_3-.Ltmp1, $4  }
0xa9: {  	[sflag:s7] =	ssyncset.done $0x0  }
0xaa: {  	[sflag:s7] =	ssyncadd.s32 $0xFFFFC000  }
0xab: {  	p0 =	por $0x1, $0x1;
	_ =	swait.ge [sflag:s6], $0x4000  }
0xac: {  	s0 =	sadd.s32 $0xFFFFFFFF, s1;
	s1 =	rddreg [dreg:$0x3];
	[sflag:s6] =	ssyncset.done $0x0  }
.LBB2_2:
0xad: {  	[sflag:s6] =	ssyncadd.s32 $0xFFFFC000;
	s18 =	simm.s32 $0x4000  }
0xae: {  	s28 =	smov.u32 s26;
	s26 =	smov.u32 s25;
	s25 =	smov.u32 s24  }
0xaf: {  	s24 =	smov.u32 s23;
	s23 =	smov.u32 s20;
	s20 =	smov.u32 s16  }
0xb0: {  	s16 =	smov.u32 s14;
	s14 =	smov.u32 s12;
	s12 =	smov.u32 s10  }
0xb1: {  	[tilespmem:s2], [sflag:$0x1] =	stream.linear.gather [hbm4b:s1+s2], $0x4000, $0x38;
	[tilespmem:$0x18000] =	vst v63  }
0xb2: {  	s10 =	smov.u32 s8;
	s8 =	smov.u32 s3;
	s3 =	rddreg [dreg:$0x4]  }
0xb3: {  	[tilespmem:s18], [sflag:$0x2] =	stream.linear.gather [hbm4b:s3+s2], $0x4000, $0x38;
	[tilespmem:$0x18000] =	vst v63  }
0xb4: {  	s13 =	simm.s32 $0x8000;
	s1 =	rddreg [dreg:$0x5]  }
0xb5: {  	[tilespmem:s13], [sflag:$0x3] =	stream.linear.gather [hbm4b:s1+s2], $0x4000, $0x38;
	[tilespmem:$0x18000] =	vst v63  }
0xb6: {  	s11 =	simm.s32 $0xC000;
	s3 =	rddreg [dreg:$0x6]  }
0xb7: {  	[tilespmem:s11], [sflag:$0x4] =	stream.linear.gather [hbm4b:s3+s2], $0x4000, $0x38;
	[tilespmem:$0x18000] =	vst v63  }
0xb8: {  	_ =	swait.ge [sflag:s22], $0x4000  }
0xb9: {  	[sflag:s22] =	ssyncset.done $0x0  }
0xba: {  	s1 =	rddreg [dreg:$0x7];
	[sflag:s22] =	ssyncadd.s32 $0xFFFFC000  }
0xbb: {  	[hbm4b:s1+s2] =	stream.linear.scatter [tilespmem:s2], [sflag:$0x7], $0x4000, $0x38;
	[tilespmem:$0x18000] =	vst v63  }
0xbc: {  	s9 =	simm.s32 $0x10000;
	s3 =	rddreg [dreg:$0x8]  }
0xbd: {  	[tilespmem:s9], [sflag:$0x5] =	stream.linear.gather [hbm4b:s3+s2], $0x4000, $0x38;
	[tilespmem:$0x18000] =	vst v63  }
0xbe: {  	_ =	swait.ge [sflag:s19], $0x4000  }
0xbf: {  	[sflag:s19] =	ssyncset.done $0x0  }
0xc0: {  	s13 =	simm.s32 $0x4000;
	s1 =	rddreg [dreg:$0x9];
	[sflag:s19] =	ssyncadd.s32 $0xFFFFC000  }
0xc1: {  	[hbm4b:s1+s2] =	stream.linear.scatter [tilespmem:s13], [sflag:$0x8], $0x4000, $0x38;
	[tilespmem:$0x18000] =	vst v63  }
0xc2: {  	s29 =	simm.s32 $0x14000;
	s3 =	rddreg [dreg:$0xa]  }
0xc3: {  	[tilespmem:s29], [sflag:$0x6] =	stream.linear.gather [hbm4b:s3+s2], $0x4000, $0x38;
	[tilespmem:$0x18000] =	vst v63  }
0xc4: {  	_ =	swait.ge [sflag:s17], $0x4000  }
0xc5: {  	[sflag:s17] =	ssyncset.done $0x0  }
0xc6: {  	s11 =	simm.s32 $0x8000;
	s1 =	rddreg [dreg:$0xb];
	[sflag:s17] =	ssyncadd.s32 $0xFFFFC000  }
0xc7: {  	[hbm4b:s1+s2] =	stream.linear.scatter [tilespmem:s11], [sflag:$0x9], $0x4000, $0x38;
	[tilespmem:$0x18000] =	vst v63  }
0xc8: {  	_ =	swait.ge [sflag:s5], $0x4000  }
0xc9: {  	[sflag:s5] =	ssyncset.done $0x0  }
0xca: {  	s1 =	rddreg [dreg:$0xc];
	[sflag:s5] =	ssyncadd.s32 $0xFFFFC000  }
0xcb: {  	[tilespmem:s2], [sflag:$0x1] =	stream.linear.gather [hbm4b:s1+s2], $0x4000, $0x38;
	[tilespmem:$0x18000] =	vst v63  }
0xcc: {  	_ =	swait.ge [sflag:s15], $0x4000  }
0xcd: {  	[sflag:s15] =	ssyncset.done $0x0  }
0xce: {  	s9 =	simm.s32 $0xC000;
	s1 =	rddreg [dreg:$0xd];
	[sflag:s15] =	ssyncadd.s32 $0xFFFFC000  }
0xcf: {  	[hbm4b:s1+s2] =	stream.linear.scatter [tilespmem:s9], [sflag:$0xA], $0x4000, $0x38;
	[tilespmem:$0x18000] =	vst v63  }
0xd0: {  	_ =	swait.ge [sflag:s4], $0x4000  }
0xd1: {  	[sflag:s4] =	ssyncset.done $0x0  }
0xd2: {  	s1 =	rddreg [dreg:$0xe];
	[sflag:s4] =	ssyncadd.s32 $0xFFFFC000  }
0xd3: {  	[tilespmem:s13], [sflag:$0x2] =	stream.linear.gather [hbm4b:s1+s2], $0x4000, $0x38;
	[tilespmem:$0x18000] =	vst v63  }
0xd4: {  	_ =	swait.ge [sflag:s31], $0x4000  }
0xd5: {  	s29 =	simm.s32 $0x10000;
	s3 =	smov.u32 s8;
	[sflag:s31] =	ssyncset.done $0x0  }
0xd6: {  	s8 =	smov.u32 s10;
	s1 =	rddreg [dreg:$0xf];
	[sflag:s31] =	ssyncadd.s32 $0xFFFFC000  }
0xd7: {  	[hbm4b:s1+s2] =	stream.linear.scatter [tilespmem:s29], [sflag:$0xB], $0x4000, $0x38;
	[tilespmem:$0x18000] =	vst v63  }
0xd8: {  	s10 =	smov.u32 s12;
	s12 =	smov.u32 s14;
	_ =	swait.ge [sflag:s7], $0x4000  }
0xd9: {  	s14 =	smov.u32 s16;
	s16 =	smov.u32 s20;
	[sflag:s7] =	ssyncset.done $0x0  }
0xda: {  	s20 =	smov.u32 s23;
	s1 =	rddreg [dreg:$0x10];
	[sflag:s7] =	ssyncadd.s32 $0xFFFFC000  }
0xdb: {  	[tilespmem:s11], [sflag:$0x3] =	stream.linear.gather [hbm4b:s1+s2], $0x4000, $0x38;
	[tilespmem:$0x18000] =	vst v63  }
0xdc: {  	s23 =	smov.u32 s24;
	s24 =	smov.u32 s25;
	_ =	swait.ge [sflag:s30], $0x4000  }
0xdd: {  	s25 =	smov.u32 s26;
	s26 =	smov.u32 s28;
	[sflag:s30] =	ssyncset.done $0x0  }
0xde: {  	s28 =	simm.s32 $0x14000;
	s1 =	rddreg [dreg:$0x11];
	[sflag:s30] =	ssyncadd.s32 $0xFFFFC000  }
0xdf: {  	[hbm4b:s1+s2] =	stream.linear.scatter [tilespmem:s28], [sflag:$0xC], $0x4000, $0x38;
	[tilespmem:$0x18000] =	vst v63  }
0xe0: {  	_ =	swait.ge [sflag:s6], $0x4000  }
0xe1: {  	[sflag:s6] =	ssyncset.done $0x0  }
0xe2: {  	s1 =	rddreg [dreg:$0x12];
	[sflag:s6] =	ssyncadd.s32 $0xFFFFC000  }
0xe3: {  	[tilespmem:s9], [sflag:$0x4] =	stream.linear.gather [hbm4b:s1+s2], $0x4000, $0x38;
	[tilespmem:$0x18000] =	vst v63  }
0xe4: {  	_ =	swait.ge [sflag:s22], $0x4000  }
0xe5: {  	[sflag:s22] =	ssyncset.done $0x0  }
0xe6: {  	s1 =	rddreg [dreg:$0x13];
	[sflag:s22] =	ssyncadd.s32 $0xFFFFC000  }
0xe7: {  	[hbm4b:s1+s2] =	stream.linear.scatter [tilespmem:s2], [sflag:$0x7], $0x4000, $0x38;
	[tilespmem:$0x18000] =	vst v63  }
0xe8: {  	_ =	swait.ge [sflag:s21], $0x4000  }
0xe9: {  	[sflag:s21] =	ssyncset.done $0x0  }
0xea: {  	s1 =	rddreg [dreg:$0x14];
	[sflag:s21] =	ssyncadd.s32 $0xFFFFC000  }
0xeb: {  	[tilespmem:s29], [sflag:$0x5] =	stream.linear.gather [hbm4b:s1+s2], $0x4000, $0x38;
	[tilespmem:$0x18000] =	vst v63  }
0xec: {  	_ =	swait.ge [sflag:s19], $0x4000  }
0xed: {  	[sflag:s19] =	ssyncset.done $0x0  }
0xee: {  	s18 =	simm.s32 $0xC;
	s1 =	rddreg [dreg:$0x15];
	[sflag:s19] =	ssyncadd.s32 $0xFFFFC000  }
0xef: {  	[hbm4b:s1+s2] =	stream.linear.scatter [tilespmem:s13], [sflag:$0x8], $0x4000, $0x38;
	[tilespmem:$0x18000] =	vst v63  }
0xf0: {  	_ =	swait.ge [sflag:s18], $0x4000  }
0xf1: {  	[sflag:s18] =	ssyncset.done $0x0  }
0xf2: {  	s1 =	rddreg [dreg:$0x16];
	[sflag:s18] =	ssyncadd.s32 $0xFFFFC000  }
0xf3: {  	[tilespmem:s28], [sflag:$0x6] =	stream.linear.gather [hbm4b:s1+s2], $0x4000, $0x38;
	[tilespmem:$0x18000] =	vst v63  }
0xf4: {  	_ =	swait.ge [sflag:s17], $0x4000  }
0xf5: {  	[sflag:s17] =	ssyncset.done $0x0  }
0xf6: {  	s1 =	rddreg [dreg:$0x17];
	[sflag:s17] =	ssyncadd.s32 $0xFFFFC000  }
0xf7: {  	[hbm4b:s1+s2] =	stream.linear.scatter [tilespmem:s11], [sflag:$0x9], $0x4000, $0x38;
	[tilespmem:$0x18000] =	vst v63  }
0xf8: {  	_ =	swait.ge [sflag:s5], $0x4000  }
0xf9: {  	[sflag:s5] =	ssyncset.done $0x0  }
0xfa: {  	[sflag:s5] =	ssyncadd.s32 $0xFFFFC000  }
0xfb: {  	[tilespmem:s2], [sflag:$0x1] =	stream.linear.gather [hbm4b:s26+s2], $0x4000, $0x38;
	[tilespmem:$0x18000] =	vst v63  }
0xfc: {  	_ =	swait.ge [sflag:s15], $0x4000  }
0xfd: {  	[sflag:s15] =	ssyncset.done $0x0  }
0xfe: {  	[sflag:s15] =	ssyncadd.s32 $0xFFFFC000  }
0xff: {  	[hbm4b:s25+s2] =	stream.linear.scatter [tilespmem:s9], [sflag:$0xA], $0x4000, $0x38;
	[tilespmem:$0x18000] =	vst v63  }
0x100: {  	_ =	swait.ge [sflag:s4], $0x4000  }
0x101: {  	[sflag:s4] =	ssyncset.done $0x0  }
0x102: {  	[sflag:s4] =	ssyncadd.s32 $0xFFFFC000  }
0x103: {  	[tilespmem:s13], [sflag:$0x2] =	stream.linear.gather [hbm4b:s24+s2], $0x4000, $0x38;
	[tilespmem:$0x18000] =	vst v63  }
0x104: {  	_ =	swait.ge [sflag:s31], $0x4000  }
0x105: {  	[sflag:s31] =	ssyncset.done $0x0  }
0x106: {  	[sflag:s31] =	ssyncadd.s32 $0xFFFFC000  }
0x107: {  	[hbm4b:s23+s2] =	stream.linear.scatter [tilespmem:s29], [sflag:$0xB], $0x4000, $0x38;
	[tilespmem:$0x18000] =	vst v63  }
0x108: {  	_ =	swait.ge [sflag:s7], $0x4000  }
0x109: {  	[sflag:s7] =	ssyncset.done $0x0  }
0x10a: {  	[sflag:s7] =	ssyncadd.s32 $0xFFFFC000  }
0x10b: {  	[tilespmem:s11], [sflag:$0x3] =	stream.linear.gather [hbm4b:s20+s2], $0x4000, $0x38;
	[tilespmem:$0x18000] =	vst v63  }
0x10c: {  	_ =	swait.ge [sflag:s30], $0x4000  }
0x10d: {  	[sflag:s30] =	ssyncset.done $0x0  }
0x10e: {  	[sflag:s30] =	ssyncadd.s32 $0xFFFFC000  }
0x10f: {  	[hbm4b:s16+s2] =	stream.linear.scatter [tilespmem:s28], [sflag:$0xC], $0x4000, $0x38;
	[tilespmem:$0x18000] =	vst v63  }
0x110: {  	_ =	swait.ge [sflag:s6], $0x4000  }
0x111: {  	[sflag:s6] =	ssyncset.done $0x0  }
0x112: {  	[sflag:s6] =	ssyncadd.s32 $0xFFFFC000  }
0x113: {  	[tilespmem:s9], [sflag:$0x4] =	stream.linear.gather [hbm4b:s14+s2], $0x4000, $0x38;
	[tilespmem:$0x18000] =	vst v63  }
0x114: {  	_ =	swait.ge [sflag:s22], $0x4000  }
0x115: {  	[sflag:s22] =	ssyncset.done $0x0  }
0x116: {  	[sflag:s22] =	ssyncadd.s32 $0xFFFFC000  }
0x117: {  	[hbm4b:s12+s2] =	stream.linear.scatter [tilespmem:s2], [sflag:$0x7], $0x4000, $0x38;
	[tilespmem:$0x18000] =	vst v63  }
0x118: {  	_ =	swait.ge [sflag:s19], $0x4000  }
0x119: {  	[sflag:s19] =	ssyncset.done $0x0  }
0x11a: {  	[sflag:s19] =	ssyncadd.s32 $0xFFFFC000  }
0x11b: {  	[hbm4b:s10+s2] =	stream.linear.scatter [tilespmem:s13], [sflag:$0x8], $0x4000, $0x38;
	[tilespmem:$0x18000] =	vst v63  }
0x11c: {  	_ =	swait.ge [sflag:s17], $0x4000  }
0x11d: {  	[sflag:s17] =	ssyncset.done $0x0  }
0x11e: {  	[sflag:s17] =	ssyncadd.s32 $0xFFFFC000  }
0x11f: {  	[hbm4b:s8+s2] =	stream.linear.scatter [tilespmem:s11], [sflag:$0x9], $0x4000, $0x38;
	[tilespmem:$0x18000] =	vst v63  }
0x120: {  	_ =	swait.ge [sflag:s15], $0x4000  }
0x121: {  	[sflag:s15] =	ssyncset.done $0x0  }
0x122: {  	[sflag:s15] =	ssyncadd.s32 $0xFFFFC000  }
0x123: {  	[hbm4b:s3+s2] =	stream.linear.scatter [tilespmem:s9], [sflag:$0xA], $0x4000, $0x38;
	[tilespmem:$0x18000] =	vst v63  }
0x124: {  	_ =	swait.ge [sflag:s21], $0x4000  }
0x125: {  	[sflag:s21] =	ssyncset.done $0x0  }
0x126: {  	[sflag:s21] =	ssyncadd.s32 $0xFFFFC000  }
0x127: {  	_ =	swait.ge [sflag:s18], $0x4000  }
0x128: {  	[sflag:s18] =	ssyncset.done $0x0  }
0x129: {  	[sflag:s18] =	ssyncadd.s32 $0xFFFFC000  }
0x12a: {  	_ =	swait.ge [sflag:s5], $0x4000  }
0x12b: {  	[sflag:s5] =	ssyncset.done $0x0  }
0x12c: {  	[sflag:s5] =	ssyncadd.s32 $0xFFFFC000  }
0x12d: {  	_ =	swait.ge [sflag:s4], $0x4000  }
0x12e: {  	[sflag:s4] =	ssyncset.done $0x0  }
0x12f: {  	p1 =	sne.s32 s0, $0x1;
	[sflag:s4] =	ssyncadd.s32 $0xFFFFC000  }
.Ltmp2:
0x130: {  	_ =	swait.ge [sflag:s7], $0x4000;
	(pc) =	sbr.rel @p1 .LBB2_2-.Ltmp2, $4  }
0x131: {  	[sflag:s7] =	ssyncset.done $0x0  }
0x132: {  	[sflag:s7] =	ssyncadd.s32 $0xFFFFC000  }
0x133: {  	_ =	swait.ge [sflag:s6], $0x4000  }
0x134: {  	s0 =	sadd.s32 $0xFFFFFFFF, s0;
	s1 =	rddreg [dreg:$0x3];
	[sflag:s6] =	ssyncset.done $0x0  }
.LBB2_3:
0x135: {  	[sflag:s6] =	ssyncadd.s32 @p0 $0xFFFFC000  }
0x136: {  	[tilespmem:s2], [sflag:$0x1] =	stream.linear.gather [hbm4b:s1+s2], $0x4000, $0x38;
	[tilespmem:$0x18000] =	vst v63  }
0x137: {  	s0 =	rddreg [dreg:$0x4]  }
0x138: {  	[tilespmem:s13], [sflag:$0x2] =	stream.linear.gather [hbm4b:s0+s2], $0x4000, $0x38;
	[tilespmem:$0x18000] =	vst v63  }
0x139: {  	s1 =	rddreg [dreg:$0x5]  }
0x13a: {  	[tilespmem:s11], [sflag:$0x3] =	stream.linear.gather [hbm4b:s1+s2], $0x4000, $0x38;
	[tilespmem:$0x18000] =	vst v63  }
0x13b: {  	s0 =	rddreg [dreg:$0x6]  }
0x13c: {  	[tilespmem:s9], [sflag:$0x4] =	stream.linear.gather [hbm4b:s0+s2], $0x4000, $0x38;
	[tilespmem:$0x18000] =	vst v63  }
0x13d: {  	_ =	swait.ge [sflag:s22], $0x4000  }
0x13e: {  	[sflag:s22] =	ssyncset.done $0x0  }
0x13f: {  	s0 =	rddreg [dreg:$0x7];
	[sflag:s22] =	ssyncadd.s32 $0xFFFFC000  }
0x140: {  	[hbm4b:s0+s2] =	stream.linear.scatter [tilespmem:s2], [sflag:$0x7], $0x4000, $0x38;
	[tilespmem:$0x18000] =	vst v63  }
0x141: {  	s1 =	rddreg [dreg:$0x8]  }
0x142: {  	[tilespmem:s29], [sflag:$0x5] =	stream.linear.gather [hbm4b:s1+s2], $0x4000, $0x38;
	[tilespmem:$0x18000] =	vst v63  }
0x143: {  	_ =	swait.ge [sflag:s19], $0x4000  }
0x144: {  	[sflag:s19] =	ssyncset.done $0x0  }
0x145: {  	s0 =	rddreg [dreg:$0x9];
	[sflag:s19] =	ssyncadd.s32 $0xFFFFC000  }
0x146: {  	[hbm4b:s0+s2] =	stream.linear.scatter [tilespmem:s13], [sflag:$0x8], $0x4000, $0x38;
	[tilespmem:$0x18000] =	vst v63  }
0x147: {  	s1 =	rddreg [dreg:$0xa]  }
0x148: {  	[tilespmem:s28], [sflag:$0x6] =	stream.linear.gather [hbm4b:s1+s2], $0x4000, $0x38;
	[tilespmem:$0x18000] =	vst v63  }
0x149: {  	_ =	swait.ge [sflag:s17], $0x4000  }
0x14a: {  	[sflag:s17] =	ssyncset.done $0x0  }
0x14b: {  	s1 =	rddreg [dreg:$0xb];
	[sflag:s17] =	ssyncadd.s32 $0xFFFFC000  }
0x14c: {  	[hbm4b:s1+s2] =	stream.linear.scatter [tilespmem:s11], [sflag:$0x9], $0x4000, $0x38;
	[tilespmem:$0x18000] =	vst v63  }
0x14d: {  	_ =	swait.ge [sflag:s5], $0x4000  }
0x14e: {  	[sflag:s5] =	ssyncset.done $0x0  }
0x14f: {  	s1 =	rddreg [dreg:$0xc];
	[sflag:s5] =	ssyncadd.s32 $0xFFFFC000  }
0x150: {  	[tilespmem:s2], [sflag:$0x1] =	stream.linear.gather [hbm4b:s1+s2], $0x4000, $0x38;
	[tilespmem:$0x18000] =	vst v63  }
0x151: {  	_ =	swait.ge [sflag:s15], $0x4000  }
0x152: {  	[sflag:s15] =	ssyncset.done $0x0  }
0x153: {  	s1 =	rddreg [dreg:$0xd];
	[sflag:s15] =	ssyncadd.s32 $0xFFFFC000  }
0x154: {  	[hbm4b:s1+s2] =	stream.linear.scatter [tilespmem:s9], [sflag:$0xA], $0x4000, $0x38;
	[tilespmem:$0x18000] =	vst v63  }
0x155: {  	_ =	swait.ge [sflag:s4], $0x4000  }
0x156: {  	[sflag:s4] =	ssyncset.done $0x0  }
0x157: {  	s1 =	rddreg [dreg:$0xe];
	[sflag:s4] =	ssyncadd.s32 $0xFFFFC000  }
0x158: {  	[tilespmem:s13], [sflag:$0x2] =	stream.linear.gather [hbm4b:s1+s2], $0x4000, $0x38;
	[tilespmem:$0x18000] =	vst v63  }
0x159: {  	_ =	swait.ge [sflag:s31], $0x4000  }
0x15a: {  	[sflag:s31] =	ssyncset.done $0x0  }
0x15b: {  	s1 =	rddreg [dreg:$0xf];
	[sflag:s31] =	ssyncadd.s32 $0xFFFFC000  }
0x15c: {  	[hbm4b:s1+s2] =	stream.linear.scatter [tilespmem:s29], [sflag:$0xB], $0x4000, $0x38;
	[tilespmem:$0x18000] =	vst v63  }
0x15d: {  	_ =	swait.ge [sflag:s7], $0x4000  }
0x15e: {  	[sflag:s7] =	ssyncset.done $0x0  }
0x15f: {  	s1 =	rddreg [dreg:$0x10];
	[sflag:s7] =	ssyncadd.s32 $0xFFFFC000  }
0x160: {  	[tilespmem:s11], [sflag:$0x3] =	stream.linear.gather [hbm4b:s1+s2], $0x4000, $0x38;
	[tilespmem:$0x18000] =	vst v63  }
0x161: {  	_ =	swait.ge [sflag:s30], $0x4000  }
0x162: {  	[sflag:s30] =	ssyncset.done $0x0  }
0x163: {  	s1 =	rddreg [dreg:$0x11];
	[sflag:s30] =	ssyncadd.s32 $0xFFFFC000  }
0x164: {  	[hbm4b:s1+s2] =	stream.linear.scatter [tilespmem:s28], [sflag:$0xC], $0x4000, $0x38;
	[tilespmem:$0x18000] =	vst v63  }
0x165: {  	_ =	swait.ge [sflag:s6], $0x4000  }
0x166: {  	[sflag:s6] =	ssyncset.done $0x0  }
0x167: {  	s1 =	rddreg [dreg:$0x12];
	[sflag:s6] =	ssyncadd.s32 $0xFFFFC000  }
0x168: {  	[tilespmem:s9], [sflag:$0x4] =	stream.linear.gather [hbm4b:s1+s2], $0x4000, $0x38;
	[tilespmem:$0x18000] =	vst v63  }
0x169: {  	_ =	swait.ge [sflag:s22], $0x4000  }
0x16a: {  	[sflag:s22] =	ssyncset.done $0x0  }
0x16b: {  	s1 =	rddreg [dreg:$0x13];
	[sflag:s22] =	ssyncadd.s32 $0xFFFFC000  }
0x16c: {  	[hbm4b:s1+s2] =	stream.linear.scatter [tilespmem:s2], [sflag:$0x7], $0x4000, $0x38;
	[tilespmem:$0x18000] =	vst v63  }
0x16d: {  	_ =	swait.ge [sflag:s21], $0x4000  }
0x16e: {  	[sflag:s21] =	ssyncset.done $0x0  }
0x16f: {  	s1 =	rddreg [dreg:$0x14];
	[sflag:s21] =	ssyncadd.s32 $0xFFFFC000  }
0x170: {  	[tilespmem:s29], [sflag:$0x5] =	stream.linear.gather [hbm4b:s1+s2], $0x4000, $0x38;
	[tilespmem:$0x18000] =	vst v63  }
0x171: {  	_ =	swait.ge [sflag:s19], $0x4000  }
0x172: {  	[sflag:s19] =	ssyncset.done $0x0  }
0x173: {  	s1 =	rddreg [dreg:$0x15];
	[sflag:s19] =	ssyncadd.s32 $0xFFFFC000  }
0x174: {  	[hbm4b:s1+s2] =	stream.linear.scatter [tilespmem:s13], [sflag:$0x8], $0x4000, $0x38;
	[tilespmem:$0x18000] =	vst v63  }
0x175: {  	_ =	swait.ge [sflag:s18], $0x4000  }
0x176: {  	[sflag:s18] =	ssyncset.done $0x0  }
0x177: {  	s1 =	rddreg [dreg:$0x16];
	[sflag:s18] =	ssyncadd.s32 $0xFFFFC000  }
0x178: {  	[tilespmem:s28], [sflag:$0x6] =	stream.linear.gather [hbm4b:s1+s2], $0x4000, $0x38;
	[tilespmem:$0x18000] =	vst v63  }
0x179: {  	_ =	swait.ge [sflag:s17], $0x4000  }
0x17a: {  	[sflag:s17] =	ssyncset.done $0x0  }
0x17b: {  	s1 =	rddreg [dreg:$0x17];
	[sflag:s17] =	ssyncadd.s32 $0xFFFFC000  }
0x17c: {  	[hbm4b:s1+s2] =	stream.linear.scatter [tilespmem:s11], [sflag:$0x9], $0x4000, $0x38;
	[tilespmem:$0x18000] =	vst v63  }
0x17d: {  	_ =	swait.ge [sflag:s5], $0x4000  }
0x17e: {  	[sflag:s5] =	ssyncset.done $0x0  }
0x17f: {  	[sflag:s5] =	ssyncadd.s32 $0xFFFFC000  }
0x180: {  	[tilespmem:s2], [sflag:$0x1] =	stream.linear.gather [hbm4b:s26+s2], $0x4000, $0x38;
	[tilespmem:$0x18000] =	vst v63  }
0x181: {  	_ =	swait.ge [sflag:s15], $0x4000  }
0x182: {  	[sflag:s15] =	ssyncset.done $0x0  }
0x183: {  	[sflag:s15] =	ssyncadd.s32 $0xFFFFC000  }
0x184: {  	[hbm4b:s25+s2] =	stream.linear.scatter [tilespmem:s9], [sflag:$0xA], $0x4000, $0x38;
	[tilespmem:$0x18000] =	vst v63  }
0x185: {  	_ =	swait.ge [sflag:s4], $0x4000  }
0x186: {  	[sflag:s4] =	ssyncset.done $0x0  }
0x187: {  	[sflag:s4] =	ssyncadd.s32 $0xFFFFC000  }
0x188: {  	[tilespmem:s13], [sflag:$0x2] =	stream.linear.gather [hbm4b:s24+s2], $0x4000, $0x38;
	[tilespmem:$0x18000] =	vst v63  }
0x189: {  	_ =	swait.ge [sflag:s31], $0x4000  }
0x18a: {  	[sflag:s31] =	ssyncset.done $0x0  }
0x18b: {  	[sflag:s31] =	ssyncadd.s32 $0xFFFFC000  }
0x18c: {  	[hbm4b:s23+s2] =	stream.linear.scatter [tilespmem:s29], [sflag:$0xB], $0x4000, $0x38;
	[tilespmem:$0x18000] =	vst v63  }
0x18d: {  	_ =	swait.ge [sflag:s7], $0x4000  }
0x18e: {  	[sflag:s7] =	ssyncset.done $0x0  }
0x18f: {  	[sflag:s7] =	ssyncadd.s32 $0xFFFFC000  }
0x190: {  	[tilespmem:s11], [sflag:$0x3] =	stream.linear.gather [hbm4b:s20+s2], $0x4000, $0x38;
	[tilespmem:$0x18000] =	vst v63  }
0x191: {  	_ =	swait.ge [sflag:s30], $0x4000  }
0x192: {  	[sflag:s30] =	ssyncset.done $0x0  }
0x193: {  	[sflag:s30] =	ssyncadd.s32 $0xFFFFC000  }
0x194: {  	[hbm4b:s16+s2] =	stream.linear.scatter [tilespmem:s28], [sflag:$0xC], $0x4000, $0x38;
	[tilespmem:$0x18000] =	vst v63  }
0x195: {  	_ =	swait.ge [sflag:s6], $0x4000  }
0x196: {  	[sflag:s6] =	ssyncset.done $0x0  }
0x197: {  	[sflag:s6] =	ssyncadd.s32 $0xFFFFC000  }
0x198: {  	[tilespmem:s9], [sflag:$0x4] =	stream.linear.gather [hbm4b:s14+s2], $0x4000, $0x38;
	[tilespmem:$0x18000] =	vst v63  }
0x199: {  	_ =	swait.ge [sflag:s22], $0x4000  }
0x19a: {  	[sflag:s22] =	ssyncset.done $0x0  }
0x19b: {  	[sflag:s22] =	ssyncadd.s32 $0xFFFFC000  }
0x19c: {  	[hbm4b:s12+s2] =	stream.linear.scatter [tilespmem:s2], [sflag:$0x7], $0x4000, $0x38;
	[tilespmem:$0x18000] =	vst v63  }
0x19d: {  	_ =	swait.ge [sflag:s19], $0x4000  }
0x19e: {  	[sflag:s19] =	ssyncset.done $0x0  }
0x19f: {  	[sflag:s19] =	ssyncadd.s32 $0xFFFFC000  }
0x1a0: {  	[hbm4b:s10+s2] =	stream.linear.scatter [tilespmem:s13], [sflag:$0x8], $0x4000, $0x38;
	[tilespmem:$0x18000] =	vst v63  }
0x1a1: {  	_ =	swait.ge [sflag:s17], $0x4000  }
0x1a2: {  	[sflag:s17] =	ssyncset.done $0x0  }
0x1a3: {  	[sflag:s17] =	ssyncadd.s32 $0xFFFFC000  }
0x1a4: {  	[hbm4b:s8+s2] =	stream.linear.scatter [tilespmem:s11], [sflag:$0x9], $0x4000, $0x38;
	[tilespmem:$0x18000] =	vst v63  }
0x1a5: {  	_ =	swait.ge [sflag:s15], $0x4000  }
0x1a6: {  	[sflag:s15] =	ssyncset.done $0x0  }
0x1a7: {  	[sflag:s15] =	ssyncadd.s32 $0xFFFFC000  }
0x1a8: {  	[hbm4b:s3+s2] =	stream.linear.scatter [tilespmem:s9], [sflag:$0xA], $0x4000, $0x38;
	[tilespmem:$0x18000] =	vst v63  }
0x1a9: {  	_ =	swait.ge [sflag:s21], $0x4000  }
0x1aa: {  	[sflag:s21] =	ssyncset.done $0x0  }
0x1ab: {  	[sflag:s21] =	ssyncadd.s32 $0xFFFFC000  }
0x1ac: {  	_ =	swait.ge [sflag:s18], $0x4000  }
0x1ad: {  	[sflag:s18] =	ssyncset.done $0x0  }
0x1ae: {  	[sflag:s18] =	ssyncadd.s32 $0xFFFFC000  }
0x1af: {  	_ =	swait.ge [sflag:s5], $0x4000  }
0x1b0: {  	[sflag:s5] =	ssyncset.done $0x0  }
0x1b1: {  	[sflag:s5] =	ssyncadd.s32 $0xFFFFC000  }
0x1b2: {  	_ =	swait.ge [sflag:s4], $0x4000  }
0x1b3: {  	[sflag:s4] =	ssyncset.done $0x0  }
0x1b4: {  	[sflag:s4] =	ssyncadd.s32 $0xFFFFC000  }
0x1b5: {  	_ =	swait.ge [sflag:s7], $0x4000  }
0x1b6: {  	[sflag:s7] =	ssyncset.done $0x0  }
0x1b7: {  	[sflag:s7] =	ssyncadd.s32 $0xFFFFC000  }
0x1b8: {  	_ =	swait.ge [sflag:s6], $0x4000  }
0x1b9: {  	[sflag:s6] =	ssyncset.done $0x0  }
0x1ba: {  	[sflag:s6] =	ssyncadd.s32 $0xFFFFC000  }
0x1bb: {  	_ =	sfence.sel $0x180000  }
0x1bc: {  	[bflag:$0x0] =	sbarrier.arrive $0xFFFF  }
0x1bd: {  	_ =	strace $0x90000047  }
0x1be: {  	s31 =	stileid.u32;
	[bflag:$0x2] =	sbarrier.arrive $0xFFFF  }
0x1bf: {  	p0 =	sne.s32 s31, $0x0;
	s0 =	rddreg [dreg:$0x2]  }
0x1c0: {  	s0 =	sadd.s32 @!p0 $0x100000, s0  }
0x1c1: {  	[sflag:s0] =	ssyncadd.tile.s32 @!p0 $0x1;
	_ =	shalt  }
.Lfunc_end2:
_tile_overlayer_lowered:
.L_overlay_start_2:
0x1c2: {  	(tag) =	ssettag $0x2  }
0x1c3: {  	s0 =	rddreg [dreg:$0x0];
	s2 =	stileid.u32  }
0x1c4: {  	s1 =	rddreg [dreg:$0x1];
	p0 =	sne.s32 s2, $0x0  }
0x1c5: {  	s3 =	rddreg [dreg:$0x2];
	[bflag:$0x3] =	sbarrier.arrive $0xFFFF;
	s2 =	simm.s32 @!p0 $0x1C0D  }
0x1c6: {  	[timem:s3], [sflag:s2] =	dma.local @!p0 [hbm:s0], s1  }
0x1c7: {  	s0 =	simm.s32 @!p0 $0xD  }
0x1c8: {  	_ =	swait.ge @!p0 [sflag:s0], s1  }
0x1c9: {  	s1 =	ssub.s32 @!p0 $0x0, s1;
	[sflag:s0] =	ssyncset.done @!p0 $0x0  }
0x1ca: {  	[sflag:s0] =	ssyncadd.s32 @!p0 s1  }
0x1cb: {  	[bflag:$0x3] =	sbarrier.arrive $0xFFFF  }
0x1cc: {  	_ =	shalt  }

</sc_bundles>
